<compile_context>
chip_gen: v7x
topology: tpu7x:2x2x1
jax: 0.10.2.dev20260603
libtpu: 0.0.44.dev20260713+nightly
codegen_flags: <defaults>
</compile_context>

<pallas_src>
import jax
import jax.numpy as jnp
from jax import lax
from jax.experimental import pallas as pl
from jax.experimental.pallas import tpu as pltpu
from jax.experimental.pallas import tpu_sc as plsc

N = 100000
D = 128
H = 128
K = 16
ALPHA = 0.2

_NC, _NS = 2, 16
_NW = _NC * _NS
_RPW = 3128
_NPAD = _NW * _RPW

_CH = 184
_NCH = _RPW // _CH

_ROWS = 6400


def _dense_body(f_ref, c_ref, w_ref, v_ref, a_ref):
    wv = jnp.dot(w_ref[...], v_ref[...], preferred_element_type=jnp.float32)
    m1 = jnp.dot(c_ref[...], wv[:H], preferred_element_type=jnp.float32)
    m2 = jnp.dot(c_ref[...], wv[H:], preferred_element_type=jnp.float32)
    m = jnp.concatenate(
        [m1, m2, jnp.zeros((H, 128 - 2 * K), jnp.float32)], axis=1)
    x = f_ref[...]
    a_ref[...] = jnp.dot(x, m, preferred_element_type=jnp.float32)


def _dense(features, C, W, V):
    return pl.pallas_call(
        _dense_body,
        grid=(pl.cdiv(N, _ROWS),),
        in_specs=[
            pl.BlockSpec((_ROWS, D), lambda i: (i, 0)),
            pl.BlockSpec((D, H), lambda i: (0, 0)),
            pl.BlockSpec((2 * H, H), lambda i: (0, 0)),
            pl.BlockSpec((H, K), lambda i: (0, 0)),
        ],
        out_specs=pl.BlockSpec((_ROWS, 128), lambda i: (i, 0)),
        out_shape=jax.ShapeDtypeStruct((_NPAD, 128), jnp.float32),
    )(features, C, W, V)


def _sc_body(ac_hbm, n1_hbm, n2_hbm, out_hbm,
             idx1, idx2, b1a, b1b, b2a, b2b, semi, sem1, sem2, semo):
    wid = lax.axis_index("s") * _NC + lax.axis_index("c")
    base = wid * _RPW
    j0 = wid // 4
    g0 = (wid % 4) * _RPW
    ci1 = pltpu.async_copy(n1_hbm.at[pl.ds(base, _RPW)], idx1, semi)
    ci2 = pltpu.async_copy(n2_hbm.at[pl.ds(base, _RPW)], idx2, semi)
    ci1.wait()
    ci2.wait()

    def start(k, slot):
        sl = pl.ds(k * _CH, _CH)
        c1 = pltpu.async_copy(ac_hbm.at[idx1.at[sl]], [b1a, b1b][slot], sem1)
        c2 = pltpu.async_copy(ac_hbm.at[idx2.at[sl]], [b2a, b2b][slot], sem2)
        return c1, c2

    outs = []
    pend = start(0, 0)
    for k in range(_NCH):
        slot = k % 2
        nxt = start(k + 1, (k + 1) % 2) if k + 1 < _NCH else None
        pend[0].wait()
        pend[1].wait()
        b1s = [b1a, b1b][slot]
        b2s = [b2a, b2b][slot]

        def body(i, carry):
            b1s[i, :] = b1s[i, :] + b2s[i, :]
            return carry

        lax.fori_loop(0, _CH, body, 0)
        outs.append(pltpu.async_copy(
            b1s, out_hbm.at[pl.ds(g0 + k * _CH, _CH), pl.ds(K * j0, K)], semo))
        if len(outs) >= 2:
            outs.pop(0).wait()
        pend = nxt
    for cp in outs:
        cp.wait()


def _sc_gather(acv, n1, n2):
    mesh = plsc.VectorSubcoreMesh(core_axis_name="c", subcore_axis_name="s")
    f = pl.kernel(
        _sc_body,
        out_type=jax.ShapeDtypeStruct((_NPAD // 8, 8 * K), jnp.float32),
        mesh=mesh,
        compiler_params=pltpu.CompilerParams(use_tc_tiling_on_sc=False),
        scratch_types=[
            pltpu.VMEM((_RPW,), jnp.int32),
            pltpu.VMEM((_RPW,), jnp.int32),
            pltpu.VMEM((_CH, K), jnp.float32),
            pltpu.VMEM((_CH, K), jnp.float32),
            pltpu.VMEM((_CH, K), jnp.float32),
            pltpu.VMEM((_CH, K), jnp.float32),
            pltpu.SemaphoreType.DMA,
            pltpu.SemaphoreType.DMA,
            pltpu.SemaphoreType.DMA,
            pltpu.SemaphoreType.DMA,
        ],
    )
    return f(acv, n1, n2)


_GPAD = _NPAD // 8
_SHIFT = 20.0


def _smax_body(tp_ref, o_ref):
    p = tp_ref[...]
    p = jnp.maximum(p, ALPHA * p)
    li = lax.broadcasted_iota(jnp.int32, (128, 128), 0) // K
    lj = lax.broadcasted_iota(jnp.int32, (128, 128), 1) // K
    g = (li == lj).astype(jnp.float32)
    e = jnp.exp(p - _SHIFT)
    s = jnp.dot(e, g, preferred_element_type=jnp.float32)
    r = p - _SHIFT - jnp.log(s)
    o_ref[...] = r.T


def _smax(tp):
    return pl.pallas_call(
        _smax_body,
        grid=(1,),
        in_specs=[pl.BlockSpec((_GPAD, 128), lambda i: (0, 0))],
        out_specs=pl.BlockSpec((128, _GPAD), lambda i: (0, 0)),
        out_shape=jax.ShapeDtypeStruct((128, _GPAD), jnp.float32),
    )(tp)


def kernel(features, C, W, V, nbr):
    ac = _dense(features, C, W, V)
    acv = jnp.reshape(ac, (8 * _NPAD, K))
    nbr_p = jnp.concatenate(
        [nbr, jnp.zeros((_NPAD - N, 2), jnp.int32)], axis=0)
    tp = _sc_gather(acv, nbr_p[:, 0] * 8, nbr_p[:, 1] * 8 + 1)
    rt = _smax(tp)
    ot = jnp.swapaxes(rt.reshape(8, K, _GPAD), 0, 1).reshape(K, _NPAD)[:, :N]
    return jnp.transpose(ot)

# --- scband reference (transcript-rebuilt; emitter-appended) ---
"""Pipeline reference for scband-random-tree-84164179132670 (READ-ONLY COPY).

The authoritative reference and input builder live on the scoring server;
editing this copy changes nothing except your own understanding.
"""

import jax, jax.numpy as jnp
import numpy as np

N = 100000
INPUT_DIM = 128
HIDDEN_DIM = 128
NUM_CLASS = 16
ALPHA = 0.2


def _xavier_normal(key, shape, gain=1.414):
    fan_in, fan_out = shape[0], shape[1]
    std = gain * np.sqrt(2.0 / (fan_in + fan_out))
    return jax.random.normal(key, shape, dtype=jnp.float32) * std


def setup_inputs(seed: int = 0) -> dict:
    key = jax.random.key(seed)
    k1, k2, k3, k4, k5 = jax.random.split(key, 5)
    features = jax.random.normal(k1, (N, INPUT_DIM), dtype=jnp.float32)
    # Learned parameters sized per init_kwargs (xavier_normal_, gain=1.414 as in the torch module)
    C = _xavier_normal(k2, (INPUT_DIM, HIDDEN_DIM))
    W = _xavier_normal(k3, (2 * HIDDEN_DIM, HIDDEN_DIM))
    V = _xavier_normal(k4, (HIDDEN_DIM, NUM_CLASS))
    # Neighbor-pair structure encoded by weight_dict in the torch module: for each
    # node idx, the two neighbor indices (n1, n2) whose hidden states are combined.
    # (Single-neighbor nodes duplicate n1=n2; the >2-neighbor branch degenerates to
    #  h[last_neighbor] due to the while-loop condition, so the exactly-2 case is the
    #  representative computation.)
    nbr = jax.random.randint(k5, (N, 2), 0, N, dtype=jnp.int32)
    return {"features": features, "C": C, "W": W, "V": V, "nbr": nbr}


def reference(features, C, W, V, nbr):
    # h = features @ C
    h = jnp.matmul(features, C)
    # Vectorized form of the per-node loop: outs[idx] = cat(h[n1], h[n2]) @ W
    x1 = jnp.take(h, nbr[:, 0], axis=0)
    x2 = jnp.take(h, nbr[:, 1], axis=0)
    x = jnp.concatenate([x1, x2], axis=1)
    outs = jnp.matmul(x, W)
    # results = LeakyReLU(outs @ V); log_softmax over classes
    results = jax.nn.leaky_relu(jnp.matmul(outs, V), negative_slope=ALPHA)
    return jax.nn.log_softmax(results, axis=1)

if __name__ == "__main__":
    import jax
    _d = setup_inputs()
    print(jax.jit(kernel)(*tuple(_d.values())))

</pallas_src>

<mosaic_0001>
#map = affine_map<(d0, d1) -> (0, 0)>
#map1 = affine_map<(d0, d1) -> (0)>
module attributes {stable_mosaic.version = 14 : i64} {
  func.func @_sc_body(%arg0: i32, %arg1: i32, %arg2: memref<800768x16xf32, #tpu.memory_space<hbm>>, %arg3: memref<100096xi32, #tpu.memory_space<hbm>>, %arg4: memref<100096xi32, #tpu.memory_space<hbm>>, %arg5: memref<12512x128xf32, #tpu.memory_space<hbm>>, %arg6: memref<3128xi32, #tpu.memory_space<vmem>>, %arg7: memref<3128xi32, #tpu.memory_space<vmem>>, %arg8: memref<184x16xf32, #tpu.memory_space<vmem>>, %arg9: memref<184x16xf32, #tpu.memory_space<vmem>>, %arg10: memref<184x16xf32, #tpu.memory_space<vmem>>, %arg11: memref<184x16xf32, #tpu.memory_space<vmem>>, %arg12: memref<!tpu.dma_semaphore, #tpu.memory_space<semaphore_mem>>, %arg13: memref<!tpu.dma_semaphore, #tpu.memory_space<semaphore_mem>>, %arg14: memref<!tpu.dma_semaphore, #tpu.memory_space<semaphore_mem>>, %arg15: memref<!tpu.dma_semaphore, #tpu.memory_space<semaphore_mem>>) attributes {dimension_semantics = [#tpu.dimension_semantics<core_parallel>, #tpu.dimension_semantics<subcore_parallel>], iteration_bounds = array<i64: 2, 16>, scalar_prefetch = 0 : i64, scratch_operands = 10 : i64, tpu.core_type = #tpu.core_type<sc_vector_subcore>, window_params = [{transform_indices = #map}, {transform_indices = #map1}, {transform_indices = #map1}, {transform_indices = #map}]} {
    %mul3A = arith.constant 2 : i32
    %mul3A_0 = arith.muli %arg1, %mul3A : i32
    %add3A = arith.addi %mul3A_0, %arg0 : i32
    %mul3A_1 = arith.constant 3128 : i32
    %mul3A_2 = arith.muli %add3A, %mul3A_1 : i32
    %jit3A = arith.constant 4 : i32
    %div3A = arith.divsi %add3A, %jit3A : i32
    %sign3A = arith.constant 0 : i32
    %sign3A_3 = arith.cmpi sgt, %add3A, %sign3A : i32
    %sign3A_4 = arith.extui %sign3A_3 : i1 to i32
    %sign3A_5 = arith.constant 0 : i32
    %sign3A_6 = arith.cmpi slt, %add3A, %sign3A_5 : i32
    %sign3A_7 = arith.extui %sign3A_6 : i1 to i32
    %sign3A_8 = arith.subi %sign3A_4, %sign3A_7 : i32
    %sign3A_9 = arith.constant 0 : i32
    %sign3A_10 = arith.cmpi sgt, %jit3A, %sign3A_9 : i32
    %sign3A_11 = arith.extui %sign3A_10 : i1 to i32
    %sign3A_12 = arith.constant 0 : i32
    %sign3A_13 = arith.cmpi slt, %jit3A, %sign3A_12 : i32
    %sign3A_14 = arith.extui %sign3A_13 : i1 to i32
    %sign3A_15 = arith.subi %sign3A_11, %sign3A_14 : i32
    %ne3A = arith.cmpi ne, %sign3A_8, %sign3A_15 : i32
    %rem3A = arith.remsi %add3A, %jit3A : i32
    %ne3A_16 = arith.constant 0 : i32
    %ne3A_17 = arith.cmpi ne, %rem3A, %ne3A_16 : i32
    %and3A = arith.andi %ne3A, %ne3A_17 : i1
    %sub3A = arith.constant 1 : i32
    %sub3A_18 = arith.subi %div3A, %sub3A : i32
    %select_n3A = arith.select %and3A, %sub3A_18, %div3A : i32
    %jit3A_19 = arith.constant 4 : i32
    %eq3A = arith.constant 0 : i32
    %eq3A_20 = arith.cmpi eq, %jit3A_19, %eq3A : i32
    %jit3A_21 = arith.constant 1 : i32
    %select_n3A_22 = arith.select %eq3A_20, %jit3A_21, %jit3A_19 : i32
    %rem3A_23 = arith.remsi %add3A, %select_n3A_22 : i32
    %ne3A_24 = arith.constant 0 : i32
    %ne3A_25 = arith.cmpi ne, %rem3A_23, %ne3A_24 : i32
    %lt3A = arith.constant 0 : i32
    %lt3A_26 = arith.cmpi slt, %rem3A_23, %lt3A : i32
    %lt3A_27 = arith.constant 0 : i32
    %lt3A_28 = arith.cmpi slt, %select_n3A_22, %lt3A_27 : i32
    %ne3A_29 = arith.xori %lt3A_26, %lt3A_28 : i1
    %and3A_30 = arith.andi %ne3A_29, %ne3A_25 : i1
    %add3A_31 = arith.addi %rem3A_23, %select_n3A_22 : i32
    %select_n3A_32 = arith.select %and3A_30, %add3A_31, %rem3A_23 : i32
    %mul3A_33 = arith.constant 3128 : i32
    %mul3A_34 = arith.muli %select_n3A_32, %mul3A_33 : i32
    %dma_start3A = tpu.memref_slice %arg3[%mul3A_2] : memref<100096xi32, #tpu.memory_space<hbm>> -> memref<3128xi32, #tpu.memory_space<hbm>>
    %dma_start3A_35 = tpu.memref_slice %arg3[%mul3A_2] : memref<100096xi32, #tpu.memory_space<hbm>> -> memref<3128xi32, #tpu.memory_space<hbm>>
    tpu.enqueue_dma source(%dma_start3A_35 : memref<3128xi32, #tpu.memory_space<hbm>>) target(%arg6 : memref<3128xi32, #tpu.memory_space<vmem>>) target_semaphore(%arg12 : memref<!tpu.dma_semaphore, #tpu.memory_space<semaphore_mem>>)
    %dma_start3A_36 = tpu.memref_slice %arg4[%mul3A_2] : memref<100096xi32, #tpu.memory_space<hbm>> -> memref<3128xi32, #tpu.memory_space<hbm>>
    %dma_start3A_37 = tpu.memref_slice %arg4[%mul3A_2] : memref<100096xi32, #tpu.memory_space<hbm>> -> memref<3128xi32, #tpu.memory_space<hbm>>
    tpu.enqueue_dma source(%dma_start3A_37 : memref<3128xi32, #tpu.memory_space<hbm>>) target(%arg7 : memref<3128xi32, #tpu.memory_space<vmem>>) target_semaphore(%arg12 : memref<!tpu.dma_semaphore, #tpu.memory_space<semaphore_mem>>)
    %dma_wait3A = tpu.memref_slice %arg3[%mul3A_2] : memref<100096xi32, #tpu.memory_space<hbm>> -> memref<3128xi32, #tpu.memory_space<hbm>>
    %dma_wait3A_38 = tpu.memref_slice %arg3[%mul3A_2] : memref<100096xi32, #tpu.memory_space<hbm>> -> memref<3128xi32, #tpu.memory_space<hbm>>
    tpu.wait_dma2 semaphore(%arg12 : memref<!tpu.dma_semaphore, #tpu.memory_space<semaphore_mem>>) src(%dma_wait3A_38 : memref<3128xi32, #tpu.memory_space<hbm>>) dst(%arg6 : memref<3128xi32, #tpu.memory_space<vmem>>)
    %dma_wait3A_39 = tpu.memref_slice %arg4[%mul3A_2] : memref<100096xi32, #tpu.memory_space<hbm>> -> memref<3128xi32, #tpu.memory_space<hbm>>
    %dma_wait3A_40 = tpu.memref_slice %arg4[%mul3A_2] : memref<100096xi32, #tpu.memory_space<hbm>> -> memref<3128xi32, #tpu.memory_space<hbm>>
    tpu.wait_dma2 semaphore(%arg12 : memref<!tpu.dma_semaphore, #tpu.memory_space<semaphore_mem>>) src(%dma_wait3A_40 : memref<3128xi32, #tpu.memory_space<hbm>>) dst(%arg7 : memref<3128xi32, #tpu.memory_space<vmem>>)
    %dma_start3A_41 = arith.constant 0 : i32
    %dma_start3A_42 = tpu.memref_slice %arg6[%dma_start3A_41] : memref<3128xi32, #tpu.memory_space<vmem>> -> memref<184xi32, #tpu.memory_space<vmem>>
    %dma_start3A_43 = arith.constant 0 : i32
    %dma_start3A_44 = arith.constant 0 : i32
    %dma_start3A_45 = tpu.memref_slice %arg2[%dma_start3A_43, %dma_start3A_44] : memref<800768x16xf32, #tpu.memory_space<hbm>> -> memref<800768x16xf32, #tpu.memory_space<hbm>>
    tpu.enqueue_indirect_dma source(%dma_start3A_45 : memref<800768x16xf32, #tpu.memory_space<hbm>>) target(%arg8 : memref<184x16xf32, #tpu.memory_space<vmem>>) offsets(%dma_start3A_42 : memref<184xi32, #tpu.memory_space<vmem>>) semaphore(%arg13 : memref<!tpu.dma_semaphore, #tpu.memory_space<semaphore_mem>>)
    %dma_start3A_46 = arith.constant 0 : i32
    %dma_start3A_47 = tpu.memref_slice %arg7[%dma_start3A_46] : memref<3128xi32, #tpu.memory_space<vmem>> -> memref<184xi32, #tpu.memory_space<vmem>>
    %dma_start3A_48 = arith.constant 0 : i32
    %dma_start3A_49 = arith.constant 0 : i32
    %dma_start3A_50 = tpu.memref_slice %arg2[%dma_start3A_48, %dma_start3A_49] : memref<800768x16xf32, #tpu.memory_space<hbm>> -> memref<800768x16xf32, #tpu.memory_space<hbm>>
    tpu.enqueue_indirect_dma source(%dma_start3A_50 : memref<800768x16xf32, #tpu.memory_space<hbm>>) target(%arg10 : memref<184x16xf32, #tpu.memory_space<vmem>>) offsets(%dma_start3A_47 : memref<184xi32, #tpu.memory_space<vmem>>) semaphore(%arg14 : memref<!tpu.dma_semaphore, #tpu.memory_space<semaphore_mem>>)
    %dma_start3A_51 = arith.constant 184 : i32
    %dma_start3A_52 = tpu.memref_slice %arg6[%dma_start3A_51] : memref<3128xi32, #tpu.memory_space<vmem>> -> memref<184xi32, #tpu.memory_space<vmem>>
    %dma_start3A_53 = arith.constant 0 : i32
    %dma_start3A_54 = arith.constant 0 : i32
    %dma_start3A_55 = tpu.memref_slice %arg2[%dma_start3A_53, %dma_start3A_54] : memref<800768x16xf32, #tpu.memory_space<hbm>> -> memref<800768x16xf32, #tpu.memory_space<hbm>>
    tpu.enqueue_indirect_dma source(%dma_start3A_55 : memref<800768x16xf32, #tpu.memory_space<hbm>>) target(%arg9 : memref<184x16xf32, #tpu.memory_space<vmem>>) offsets(%dma_start3A_52 : memref<184xi32, #tpu.memory_space<vmem>>) semaphore(%arg13 : memref<!tpu.dma_semaphore, #tpu.memory_space<semaphore_mem>>)
    %dma_start3A_56 = arith.constant 184 : i32
    %dma_start3A_57 = tpu.memref_slice %arg7[%dma_start3A_56] : memref<3128xi32, #tpu.memory_space<vmem>> -> memref<184xi32, #tpu.memory_space<vmem>>
    %dma_start3A_58 = arith.constant 0 : i32
    %dma_start3A_59 = arith.constant 0 : i32
    %dma_start3A_60 = tpu.memref_slice %arg2[%dma_start3A_58, %dma_start3A_59] : memref<800768x16xf32, #tpu.memory_space<hbm>> -> memref<800768x16xf32, #tpu.memory_space<hbm>>
    tpu.enqueue_indirect_dma source(%dma_start3A_60 : memref<800768x16xf32, #tpu.memory_space<hbm>>) target(%arg11 : memref<184x16xf32, #tpu.memory_space<vmem>>) offsets(%dma_start3A_57 : memref<184xi32, #tpu.memory_space<vmem>>) semaphore(%arg14 : memref<!tpu.dma_semaphore, #tpu.memory_space<semaphore_mem>>)
    %dma_wait3A_61 = arith.constant 0 : i32
    %dma_wait3A_62 = tpu.memref_slice %arg6[%dma_wait3A_61] : memref<3128xi32, #tpu.memory_space<vmem>> -> memref<184xi32, #tpu.memory_space<vmem>>
    %dma_wait3A_63 = arith.constant 0 : i32
    %dma_wait3A_64 = arith.constant 0 : i32
    %dma_wait3A_65 = tpu.memref_slice %arg2[%dma_wait3A_63, %dma_wait3A_64] : memref<800768x16xf32, #tpu.memory_space<hbm>> -> memref<800768x16xf32, #tpu.memory_space<hbm>>
    tpu.wait_indirect_dma semaphore(%arg13 : memref<!tpu.dma_semaphore, #tpu.memory_space<semaphore_mem>>) src(%dma_wait3A_65 : memref<800768x16xf32, #tpu.memory_space<hbm>>) dst(%arg8 : memref<184x16xf32, #tpu.memory_space<vmem>>)
    %dma_wait3A_66 = arith.constant 0 : i32
    %dma_wait3A_67 = tpu.memref_slice %arg7[%dma_wait3A_66] : memref<3128xi32, #tpu.memory_space<vmem>> -> memref<184xi32, #tpu.memory_space<vmem>>
    %dma_wait3A_68 = arith.constant 0 : i32
    %dma_wait3A_69 = arith.constant 0 : i32
    %dma_wait3A_70 = tpu.memref_slice %arg2[%dma_wait3A_68, %dma_wait3A_69] : memref<800768x16xf32, #tpu.memory_space<hbm>> -> memref<800768x16xf32, #tpu.memory_space<hbm>>
    tpu.wait_indirect_dma semaphore(%arg14 : memref<!tpu.dma_semaphore, #tpu.memory_space<semaphore_mem>>) src(%dma_wait3A_70 : memref<800768x16xf32, #tpu.memory_space<hbm>>) dst(%arg10 : memref<184x16xf32, #tpu.memory_space<vmem>>)
    %scan3A = arith.constant 0 : i32
    %scan3A_71 = arith.constant 0 : i32
    %scan3A_72 = arith.constant 184 : i32
    %scan3A_73 = arith.addi %scan3A_71, %scan3A_72 : i32
    %scan3A_74 = arith.constant 1 : i32
    scf.for %scan3A_618 = %scan3A_71 to %scan3A_73 step %scan3A_74  : i32 {
      %get3A = arith.index_cast %scan3A_618 : i32 to index
      %get3A_619 = arith.constant 0 : index
      %get3A_620 = tpu.vector_load %arg8[%get3A, %get3A_619] {strides = array<i32>} : memref<184x16xf32, #tpu.memory_space<vmem>>, vector<1x16xf32>,
      %get3A_621 = vector.shape_cast %get3A_620 : vector<1x16xf32> to vector<16xf32>
      %get3A_622 = arith.index_cast %scan3A_618 : i32 to index
      %get3A_623 = arith.constant 0 : index
      %get3A_624 = tpu.vector_load %arg10[%get3A_622, %get3A_623] {strides = array<i32>} : memref<184x16xf32, #tpu.memory_space<vmem>>, vector<1x16xf32>,
      %get3A_625 = vector.shape_cast %get3A_624 : vector<1x16xf32> to vector<16xf32>
      %add3A_626 = arith.addf %get3A_621, %get3A_625 : vector<16xf32>
      %swap3A = arith.index_cast %scan3A_618 : i32 to index
      %swap3A_627 = arith.constant 0 : index
      %swap3A_628 = tpu.vector_load %arg8[%swap3A, %swap3A_627] {strides = array<i32>} : memref<184x16xf32, #tpu.memory_space<vmem>>, vector<1x16xf32>,
      %swap3A_629 = vector.shape_cast %swap3A_628 : vector<1x16xf32> to vector<16xf32>
      %swap3A_630 = vector.shape_cast %add3A_626 : vector<16xf32> to vector<1x16xf32>
      tpu.vector_store %arg8[%swap3A, %swap3A_627], %swap3A_630 {strides = array<i32>} : memref<184x16xf32, #tpu.memory_space<vmem>>, vector<1x16xf32>,
    }
    %scan3A_75 = arith.constant 184 : i32
    %add3A_76 = arith.constant 0 : i32
    %add3A_77 = arith.addi %mul3A_34, %add3A_76 : i32
    %mul3A_78 = arith.constant 16 : i32
    %mul3A_79 = arith.muli %mul3A_78, %select_n3A : i32
    %dma_start3A_80 = tpu.memref_slice %arg5[%add3A_77, %mul3A_79] : memref<12512x128xf32, #tpu.memory_space<hbm>> -> memref<184x16xf32, #tpu.memory_space<hbm>>
    %dma_start3A_81 = tpu.memref_slice %arg5[%add3A_77, %mul3A_79] : memref<12512x128xf32, #tpu.memory_space<hbm>> -> memref<184x16xf32, #tpu.memory_space<hbm>>
    tpu.enqueue_dma source(%arg8 : memref<184x16xf32, #tpu.memory_space<vmem>>) target(%dma_start3A_81 : memref<184x16xf32, #tpu.memory_space<hbm>>) target_semaphore(%arg15 : memref<!tpu.dma_semaphore, #tpu.memory_space<semaphore_mem>>)
    %dma_start3A_82 = arith.constant 368 : i32
    %dma_start3A_83 = tpu.memref_slice %arg6[%dma_start3A_82] : memref<3128xi32, #tpu.memory_space<vmem>> -> memref<184xi32, #tpu.memory_space<vmem>>
    %dma_start3A_84 = arith.constant 0 : i32
    %dma_start3A_85 = arith.constant 0 : i32
    %dma_start3A_86 = tpu.memref_slice %arg2[%dma_start3A_84, %dma_start3A_85] : memref<800768x16xf32, #tpu.memory_space<hbm>> -> memref<800768x16xf32, #tpu.memory_space<hbm>>
    tpu.enqueue_indirect_dma source(%dma_start3A_86 : memref<800768x16xf32, #tpu.memory_space<hbm>>) target(%arg8 : memref<184x16xf32, #tpu.memory_space<vmem>>) offsets(%dma_start3A_83 : memref<184xi32, #tpu.memory_space<vmem>>) semaphore(%arg13 : memref<!tpu.dma_semaphore, #tpu.memory_space<semaphore_mem>>)
    %dma_start3A_87 = arith.constant 368 : i32
    %dma_start3A_88 = tpu.memref_slice %arg7[%dma_start3A_87] : memref<3128xi32, #tpu.memory_space<vmem>> -> memref<184xi32, #tpu.memory_space<vmem>>
    %dma_start3A_89 = arith.constant 0 : i32
    %dma_start3A_90 = arith.constant 0 : i32
    %dma_start3A_91 = tpu.memref_slice %arg2[%dma_start3A_89, %dma_start3A_90] : memref<800768x16xf32, #tpu.memory_space<hbm>> -> memref<800768x16xf32, #tpu.memory_space<hbm>>
    tpu.enqueue_indirect_dma source(%dma_start3A_91 : memref<800768x16xf32, #tpu.memory_space<hbm>>) target(%arg10 : memref<184x16xf32, #tpu.memory_space<vmem>>) offsets(%dma_start3A_88 : memref<184xi32, #tpu.memory_space<vmem>>) semaphore(%arg14 : memref<!tpu.dma_semaphore, #tpu.memory_space<semaphore_mem>>)
    %dma_wait3A_92 = arith.constant 184 : i32
    %dma_wait3A_93 = tpu.memref_slice %arg6[%dma_wait3A_92] : memref<3128xi32, #tpu.memory_space<vmem>> -> memref<184xi32, #tpu.memory_space<vmem>>
    %dma_wait3A_94 = arith.constant 0 : i32
    %dma_wait3A_95 = arith.constant 0 : i32
    %dma_wait3A_96 = tpu.memref_slice %arg2[%dma_wait3A_94, %dma_wait3A_95] : memref<800768x16xf32, #tpu.memory_space<hbm>> -> memref<800768x16xf32, #tpu.memory_space<hbm>>
    tpu.wait_indirect_dma semaphore(%arg13 : memref<!tpu.dma_semaphore, #tpu.memory_space<semaphore_mem>>) src(%dma_wait3A_96 : memref<800768x16xf32, #tpu.memory_space<hbm>>) dst(%arg9 : memref<184x16xf32, #tpu.memory_space<vmem>>)
    %dma_wait3A_97 = arith.constant 184 : i32
    %dma_wait3A_98 = tpu.memref_slice %arg7[%dma_wait3A_97] : memref<3128xi32, #tpu.memory_space<vmem>> -> memref<184xi32, #tpu.memory_space<vmem>>
    %dma_wait3A_99 = arith.constant 0 : i32
    %dma_wait3A_100 = arith.constant 0 : i32
    %dma_wait3A_101 = tpu.memref_slice %arg2[%dma_wait3A_99, %dma_wait3A_100] : memref<800768x16xf32, #tpu.memory_space<hbm>> -> memref<800768x16xf32, #tpu.memory_space<hbm>>
    tpu.wait_indirect_dma semaphore(%arg14 : memref<!tpu.dma_semaphore, #tpu.memory_space<semaphore_mem>>) src(%dma_wait3A_101 : memref<800768x16xf32, #tpu.memory_space<hbm>>) dst(%arg11 : memref<184x16xf32, #tpu.memory_space<vmem>>)
    %scan3A_102 = arith.constant 0 : i32
    %scan3A_103 = arith.constant 0 : i32
    %scan3A_104 = arith.constant 184 : i32
    %scan3A_105 = arith.addi %scan3A_103, %scan3A_104 : i32
    %scan3A_106 = arith.constant 1 : i32
    scf.for %scan3A_618 = %scan3A_103 to %scan3A_105 step %scan3A_106  : i32 {
      %get3A = arith.index_cast %scan3A_618 : i32 to index
      %get3A_619 = arith.constant 0 : index
      %get3A_620 = tpu.vector_load %arg9[%get3A, %get3A_619] {strides = array<i32>} : memref<184x16xf32, #tpu.memory_space<vmem>>, vector<1x16xf32>,
      %get3A_621 = vector.shape_cast %get3A_620 : vector<1x16xf32> to vector<16xf32>
      %get3A_622 = arith.index_cast %scan3A_618 : i32 to index
      %get3A_623 = arith.constant 0 : index
      %get3A_624 = tpu.vector_load %arg11[%get3A_622, %get3A_623] {strides = array<i32>} : memref<184x16xf32, #tpu.memory_space<vmem>>, vector<1x16xf32>,
      %get3A_625 = vector.shape_cast %get3A_624 : vector<1x16xf32> to vector<16xf32>
      %add3A_626 = arith.addf %get3A_621, %get3A_625 : vector<16xf32>
      %swap3A = arith.index_cast %scan3A_618 : i32 to index
      %swap3A_627 = arith.constant 0 : index
      %swap3A_628 = tpu.vector_load %arg9[%swap3A, %swap3A_627] {strides = array<i32>} : memref<184x16xf32, #tpu.memory_space<vmem>>, vector<1x16xf32>,
      %swap3A_629 = vector.shape_cast %swap3A_628 : vector<1x16xf32> to vector<16xf32>
      %swap3A_630 = vector.shape_cast %add3A_626 : vector<16xf32> to vector<1x16xf32>
      tpu.vector_store %arg9[%swap3A, %swap3A_627], %swap3A_630 {strides = array<i32>} : memref<184x16xf32, #tpu.memory_space<vmem>>, vector<1x16xf32>,
    }
    %scan3A_107 = arith.constant 184 : i32
    %add3A_108 = arith.constant 184 : i32
    %add3A_109 = arith.addi %mul3A_34, %add3A_108 : i32
    %mul3A_110 = arith.constant 16 : i32
    %mul3A_111 = arith.muli %mul3A_110, %select_n3A : i32
    %dma_start3A_112 = tpu.memref_slice %arg5[%add3A_109, %mul3A_111] : memref<12512x128xf32, #tpu.memory_space<hbm>> -> memref<184x16xf32, #tpu.memory_space<hbm>>
    %dma_start3A_113 = tpu.memref_slice %arg5[%add3A_109, %mul3A_111] : memref<12512x128xf32, #tpu.memory_space<hbm>> -> memref<184x16xf32, #tpu.memory_space<hbm>>
    tpu.enqueue_dma source(%arg9 : memref<184x16xf32, #tpu.memory_space<vmem>>) target(%dma_start3A_113 : memref<184x16xf32, #tpu.memory_space<hbm>>) target_semaphore(%arg15 : memref<!tpu.dma_semaphore, #tpu.memory_space<semaphore_mem>>)
    %dma_wait3A_114 = tpu.memref_slice %arg5[%add3A_77, %mul3A_79] : memref<12512x128xf32, #tpu.memory_space<hbm>> -> memref<184x16xf32, #tpu.memory_space<hbm>>
    %dma_wait3A_115 = tpu.memref_slice %arg5[%add3A_77, %mul3A_79] : memref<12512x128xf32, #tpu.memory_space<hbm>> -> memref<184x16xf32, #tpu.memory_space<hbm>>
    tpu.wait_dma2 semaphore(%arg15 : memref<!tpu.dma_semaphore, #tpu.memory_space<semaphore_mem>>) src(%arg8 : memref<184x16xf32, #tpu.memory_space<vmem>>) dst(%dma_wait3A_115 : memref<184x16xf32, #tpu.memory_space<hbm>>)
    %dma_start3A_116 = arith.constant 552 : i32
    %dma_start3A_117 = tpu.memref_slice %arg6[%dma_start3A_116] : memref<3128xi32, #tpu.memory_space<vmem>> -> memref<184xi32, #tpu.memory_space<vmem>>
    %dma_start3A_118 = arith.constant 0 : i32
    %dma_start3A_119 = arith.constant 0 : i32
    %dma_start3A_120 = tpu.memref_slice %arg2[%dma_start3A_118, %dma_start3A_119] : memref<800768x16xf32, #tpu.memory_space<hbm>> -> memref<800768x16xf32, #tpu.memory_space<hbm>>
    tpu.enqueue_indirect_dma source(%dma_start3A_120 : memref<800768x16xf32, #tpu.memory_space<hbm>>) target(%arg9 : memref<184x16xf32, #tpu.memory_space<vmem>>) offsets(%dma_start3A_117 : memref<184xi32, #tpu.memory_space<vmem>>) semaphore(%arg13 : memref<!tpu.dma_semaphore, #tpu.memory_space<semaphore_mem>>)
    %dma_start3A_121 = arith.constant 552 : i32
    %dma_start3A_122 = tpu.memref_slice %arg7[%dma_start3A_121] : memref<3128xi32, #tpu.memory_space<vmem>> -> memref<184xi32, #tpu.memory_space<vmem>>
    %dma_start3A_123 = arith.constant 0 : i32
    %dma_start3A_124 = arith.constant 0 : i32
    %dma_start3A_125 = tpu.memref_slice %arg2[%dma_start3A_123, %dma_start3A_124] : memref<800768x16xf32, #tpu.memory_space<hbm>> -> memref<800768x16xf32, #tpu.memory_space<hbm>>
    tpu.enqueue_indirect_dma source(%dma_start3A_125 : memref<800768x16xf32, #tpu.memory_space<hbm>>) target(%arg11 : memref<184x16xf32, #tpu.memory_space<vmem>>) offsets(%dma_start3A_122 : memref<184xi32, #tpu.memory_space<vmem>>) semaphore(%arg14 : memref<!tpu.dma_semaphore, #tpu.memory_space<semaphore_mem>>)
    %dma_wait3A_126 = arith.constant 368 : i32
    %dma_wait3A_127 = tpu.memref_slice %arg6[%dma_wait3A_126] : memref<3128xi32, #tpu.memory_space<vmem>> -> memref<184xi32, #tpu.memory_space<vmem>>
    %dma_wait3A_128 = arith.constant 0 : i32
    %dma_wait3A_129 = arith.constant 0 : i32
    %dma_wait3A_130 = tpu.memref_slice %arg2[%dma_wait3A_128, %dma_wait3A_129] : memref<800768x16xf32, #tpu.memory_space<hbm>> -> memref<800768x16xf32, #tpu.memory_space<hbm>>
    tpu.wait_indirect_dma semaphore(%arg13 : memref<!tpu.dma_semaphore, #tpu.memory_space<semaphore_mem>>) src(%dma_wait3A_130 : memref<800768x16xf32, #tpu.memory_space<hbm>>) dst(%arg8 : memref<184x16xf32, #tpu.memory_space<vmem>>)
    %dma_wait3A_131 = arith.constant 368 : i32
    %dma_wait3A_132 = tpu.memref_slice %arg7[%dma_wait3A_131] : memref<3128xi32, #tpu.memory_space<vmem>> -> memref<184xi32, #tpu.memory_space<vmem>>
    %dma_wait3A_133 = arith.constant 0 : i32
    %dma_wait3A_134 = arith.constant 0 : i32
    %dma_wait3A_135 = tpu.memref_slice %arg2[%dma_wait3A_133, %dma_wait3A_134] : memref<800768x16xf32, #tpu.memory_space<hbm>> -> memref<800768x16xf32, #tpu.memory_space<hbm>>
    tpu.wait_indirect_dma semaphore(%arg14 : memref<!tpu.dma_semaphore, #tpu.memory_space<semaphore_mem>>) src(%dma_wait3A_135 : memref<800768x16xf32, #tpu.memory_space<hbm>>) dst(%arg10 : memref<184x16xf32, #tpu.memory_space<vmem>>)
    %scan3A_136 = arith.constant 0 : i32
    %scan3A_137 = arith.constant 0 : i32
    %scan3A_138 = arith.constant 184 : i32
    %scan3A_139 = arith.addi %scan3A_137, %scan3A_138 : i32
    %scan3A_140 = arith.constant 1 : i32
    scf.for %scan3A_618 = %scan3A_137 to %scan3A_139 step %scan3A_140  : i32 {
      %get3A = arith.index_cast %scan3A_618 : i32 to index
      %get3A_619 = arith.constant 0 : index
      %get3A_620 = tpu.vector_load %arg8[%get3A, %get3A_619] {strides = array<i32>} : memref<184x16xf32, #tpu.memory_space<vmem>>, vector<1x16xf32>,
      %get3A_621 = vector.shape_cast %get3A_620 : vector<1x16xf32> to vector<16xf32>
      %get3A_622 = arith.index_cast %scan3A_618 : i32 to index
      %get3A_623 = arith.constant 0 : index
      %get3A_624 = tpu.vector_load %arg10[%get3A_622, %get3A_623] {strides = array<i32>} : memref<184x16xf32, #tpu.memory_space<vmem>>, vector<1x16xf32>,
      %get3A_625 = vector.shape_cast %get3A_624 : vector<1x16xf32> to vector<16xf32>
      %add3A_626 = arith.addf %get3A_621, %get3A_625 : vector<16xf32>
      %swap3A = arith.index_cast %scan3A_618 : i32 to index
      %swap3A_627 = arith.constant 0 : index
      %swap3A_628 = tpu.vector_load %arg8[%swap3A, %swap3A_627] {strides = array<i32>} : memref<184x16xf32, #tpu.memory_space<vmem>>, vector<1x16xf32>,
      %swap3A_629 = vector.shape_cast %swap3A_628 : vector<1x16xf32> to vector<16xf32>
      %swap3A_630 = vector.shape_cast %add3A_626 : vector<16xf32> to vector<1x16xf32>
      tpu.vector_store %arg8[%swap3A, %swap3A_627], %swap3A_630 {strides = array<i32>} : memref<184x16xf32, #tpu.memory_space<vmem>>, vector<1x16xf32>,
    }
    %scan3A_141 = arith.constant 184 : i32
    %add3A_142 = arith.constant 368 : i32
    %add3A_143 = arith.addi %mul3A_34, %add3A_142 : i32
    %mul3A_144 = arith.constant 16 : i32
    %mul3A_145 = arith.muli %mul3A_144, %select_n3A : i32
    %dma_start3A_146 = tpu.memref_slice %arg5[%add3A_143, %mul3A_145] : memref<12512x128xf32, #tpu.memory_space<hbm>> -> memref<184x16xf32, #tpu.memory_space<hbm>>
    %dma_start3A_147 = tpu.memref_slice %arg5[%add3A_143, %mul3A_145] : memref<12512x128xf32, #tpu.memory_space<hbm>> -> memref<184x16xf32, #tpu.memory_space<hbm>>
    tpu.enqueue_dma source(%arg8 : memref<184x16xf32, #tpu.memory_space<vmem>>) target(%dma_start3A_147 : memref<184x16xf32, #tpu.memory_space<hbm>>) target_semaphore(%arg15 : memref<!tpu.dma_semaphore, #tpu.memory_space<semaphore_mem>>)
    %dma_wait3A_148 = tpu.memref_slice %arg5[%add3A_109, %mul3A_111] : memref<12512x128xf32, #tpu.memory_space<hbm>> -> memref<184x16xf32, #tpu.memory_space<hbm>>
    %dma_wait3A_149 = tpu.memref_slice %arg5[%add3A_109, %mul3A_111] : memref<12512x128xf32, #tpu.memory_space<hbm>> -> memref<184x16xf32, #tpu.memory_space<hbm>>
    tpu.wait_dma2 semaphore(%arg15 : memref<!tpu.dma_semaphore, #tpu.memory_space<semaphore_mem>>) src(%arg9 : memref<184x16xf32, #tpu.memory_space<vmem>>) dst(%dma_wait3A_149 : memref<184x16xf32, #tpu.memory_space<hbm>>)
    %dma_start3A_150 = arith.constant 736 : i32
    %dma_start3A_151 = tpu.memref_slice %arg6[%dma_start3A_150] : memref<3128xi32, #tpu.memory_space<vmem>> -> memref<184xi32, #tpu.memory_space<vmem>>
    %dma_start3A_152 = arith.constant 0 : i32
    %dma_start3A_153 = arith.constant 0 : i32
    %dma_start3A_154 = tpu.memref_slice %arg2[%dma_start3A_152, %dma_start3A_153] : memref<800768x16xf32, #tpu.memory_space<hbm>> -> memref<800768x16xf32, #tpu.memory_space<hbm>>
    tpu.enqueue_indirect_dma source(%dma_start3A_154 : memref<800768x16xf32, #tpu.memory_space<hbm>>) target(%arg8 : memref<184x16xf32, #tpu.memory_space<vmem>>) offsets(%dma_start3A_151 : memref<184xi32, #tpu.memory_space<vmem>>) semaphore(%arg13 : memref<!tpu.dma_semaphore, #tpu.memory_space<semaphore_mem>>)
    %dma_start3A_155 = arith.constant 736 : i32
    %dma_start3A_156 = tpu.memref_slice %arg7[%dma_start3A_155] : memref<3128xi32, #tpu.memory_space<vmem>> -> memref<184xi32, #tpu.memory_space<vmem>>
    %dma_start3A_157 = arith.constant 0 : i32
    %dma_start3A_158 = arith.constant 0 : i32
    %dma_start3A_159 = tpu.memref_slice %arg2[%dma_start3A_157, %dma_start3A_158] : memref<800768x16xf32, #tpu.memory_space<hbm>> -> memref<800768x16xf32, #tpu.memory_space<hbm>>
    tpu.enqueue_indirect_dma source(%dma_start3A_159 : memref<800768x16xf32, #tpu.memory_space<hbm>>) target(%arg10 : memref<184x16xf32, #tpu.memory_space<vmem>>) offsets(%dma_start3A_156 : memref<184xi32, #tpu.memory_space<vmem>>) semaphore(%arg14 : memref<!tpu.dma_semaphore, #tpu.memory_space<semaphore_mem>>)
    %dma_wait3A_160 = arith.constant 552 : i32
    %dma_wait3A_161 = tpu.memref_slice %arg6[%dma_wait3A_160] : memref<3128xi32, #tpu.memory_space<vmem>> -> memref<184xi32, #tpu.memory_space<vmem>>
    %dma_wait3A_162 = arith.constant 0 : i32
    %dma_wait3A_163 = arith.constant 0 : i32
    %dma_wait3A_164 = tpu.memref_slice %arg2[%dma_wait3A_162, %dma_wait3A_163] : memref<800768x16xf32, #tpu.memory_space<hbm>> -> memref<800768x16xf32, #tpu.memory_space<hbm>>
    tpu.wait_indirect_dma semaphore(%arg13 : memref<!tpu.dma_semaphore, #tpu.memory_space<semaphore_mem>>) src(%dma_wait3A_164 : memref<800768x16xf32, #tpu.memory_space<hbm>>) dst(%arg9 : memref<184x16xf32, #tpu.memory_space<vmem>>)
    %dma_wait3A_165 = arith.constant 552 : i32
    %dma_wait3A_166 = tpu.memref_slice %arg7[%dma_wait3A_165] : memref<3128xi32, #tpu.memory_space<vmem>> -> memref<184xi32, #tpu.memory_space<vmem>>
    %dma_wait3A_167 = arith.constant 0 : i32
    %dma_wait3A_168 = arith.constant 0 : i32
    %dma_wait3A_169 = tpu.memref_slice %arg2[%dma_wait3A_167, %dma_wait3A_168] : memref<800768x16xf32, #tpu.memory_space<hbm>> -> memref<800768x16xf32, #tpu.memory_space<hbm>>
    tpu.wait_indirect_dma semaphore(%arg14 : memref<!tpu.dma_semaphore, #tpu.memory_space<semaphore_mem>>) src(%dma_wait3A_169 : memref<800768x16xf32, #tpu.memory_space<hbm>>) dst(%arg11 : memref<184x16xf32, #tpu.memory_space<vmem>>)
    %scan3A_170 = arith.constant 0 : i32
    %scan3A_171 = arith.constant 0 : i32
    %scan3A_172 = arith.constant 184 : i32
    %scan3A_173 = arith.addi %scan3A_171, %scan3A_172 : i32
    %scan3A_174 = arith.constant 1 : i32
    scf.for %scan3A_618 = %scan3A_171 to %scan3A_173 step %scan3A_174  : i32 {
      %get3A = arith.index_cast %scan3A_618 : i32 to index
      %get3A_619 = arith.constant 0 : index
      %get3A_620 = tpu.vector_load %arg9[%get3A, %get3A_619] {strides = array<i32>} : memref<184x16xf32, #tpu.memory_space<vmem>>, vector<1x16xf32>,
      %get3A_621 = vector.shape_cast %get3A_620 : vector<1x16xf32> to vector<16xf32>
      %get3A_622 = arith.index_cast %scan3A_618 : i32 to index
      %get3A_623 = arith.constant 0 : index
      %get3A_624 = tpu.vector_load %arg11[%get3A_622, %get3A_623] {strides = array<i32>} : memref<184x16xf32, #tpu.memory_space<vmem>>, vector<1x16xf32>,
      %get3A_625 = vector.shape_cast %get3A_624 : vector<1x16xf32> to vector<16xf32>
      %add3A_626 = arith.addf %get3A_621, %get3A_625 : vector<16xf32>
      %swap3A = arith.index_cast %scan3A_618 : i32 to index
      %swap3A_627 = arith.constant 0 : index
      %swap3A_628 = tpu.vector_load %arg9[%swap3A, %swap3A_627] {strides = array<i32>} : memref<184x16xf32, #tpu.memory_space<vmem>>, vector<1x16xf32>,
      %swap3A_629 = vector.shape_cast %swap3A_628 : vector<1x16xf32> to vector<16xf32>
      %swap3A_630 = vector.shape_cast %add3A_626 : vector<16xf32> to vector<1x16xf32>
      tpu.vector_store %arg9[%swap3A, %swap3A_627], %swap3A_630 {strides = array<i32>} : memref<184x16xf32, #tpu.memory_space<vmem>>, vector<1x16xf32>,
    }
    %scan3A_175 = arith.constant 184 : i32
    %add3A_176 = arith.constant 552 : i32
    %add3A_177 = arith.addi %mul3A_34, %add3A_176 : i32
    %mul3A_178 = arith.constant 16 : i32
    %mul3A_179 = arith.muli %mul3A_178, %select_n3A : i32
    %dma_start3A_180 = tpu.memref_slice %arg5[%add3A_177, %mul3A_179] : memref<12512x128xf32, #tpu.memory_space<hbm>> -> memref<184x16xf32, #tpu.memory_space<hbm>>
    %dma_start3A_181 = tpu.memref_slice %arg5[%add3A_177, %mul3A_179] : memref<12512x128xf32, #tpu.memory_space<hbm>> -> memref<184x16xf32, #tpu.memory_space<hbm>>
    tpu.enqueue_dma source(%arg9 : memref<184x16xf32, #tpu.memory_space<vmem>>) target(%dma_start3A_181 : memref<184x16xf32, #tpu.memory_space<hbm>>) target_semaphore(%arg15 : memref<!tpu.dma_semaphore, #tpu.memory_space<semaphore_mem>>)
    %dma_wait3A_182 = tpu.memref_slice %arg5[%add3A_143, %mul3A_145] : memref<12512x128xf32, #tpu.memory_space<hbm>> -> memref<184x16xf32, #tpu.memory_space<hbm>>
    %dma_wait3A_183 = tpu.memref_slice %arg5[%add3A_143, %mul3A_145] : memref<12512x128xf32, #tpu.memory_space<hbm>> -> memref<184x16xf32, #tpu.memory_space<hbm>>
    tpu.wait_dma2 semaphore(%arg15 : memref<!tpu.dma_semaphore, #tpu.memory_space<semaphore_mem>>) src(%arg8 : memref<184x16xf32, #tpu.memory_space<vmem>>) dst(%dma_wait3A_183 : memref<184x16xf32, #tpu.memory_space<hbm>>)
    %dma_start3A_184 = arith.constant 920 : i32
    %dma_start3A_185 = tpu.memref_slice %arg6[%dma_start3A_184] : memref<3128xi32, #tpu.memory_space<vmem>> -> memref<184xi32, #tpu.memory_space<vmem>>
    %dma_start3A_186 = arith.constant 0 : i32
    %dma_start3A_187 = arith.constant 0 : i32
    %dma_start3A_188 = tpu.memref_slice %arg2[%dma_start3A_186, %dma_start3A_187] : memref<800768x16xf32, #tpu.memory_space<hbm>> -> memref<800768x16xf32, #tpu.memory_space<hbm>>
    tpu.enqueue_indirect_dma source(%dma_start3A_188 : memref<800768x16xf32, #tpu.memory_space<hbm>>) target(%arg9 : memref<184x16xf32, #tpu.memory_space<vmem>>) offsets(%dma_start3A_185 : memref<184xi32, #tpu.memory_space<vmem>>) semaphore(%arg13 : memref<!tpu.dma_semaphore, #tpu.memory_space<semaphore_mem>>)
    %dma_start3A_189 = arith.constant 920 : i32
    %dma_start3A_190 = tpu.memref_slice %arg7[%dma_start3A_189] : memref<3128xi32, #tpu.memory_space<vmem>> -> memref<184xi32, #tpu.memory_space<vmem>>
    %dma_start3A_191 = arith.constant 0 : i32
    %dma_start3A_192 = arith.constant 0 : i32
    %dma_start3A_193 = tpu.memref_slice %arg2[%dma_start3A_191, %dma_start3A_192] : memref<800768x16xf32, #tpu.memory_space<hbm>> -> memref<800768x16xf32, #tpu.memory_space<hbm>>
    tpu.enqueue_indirect_dma source(%dma_start3A_193 : memref<800768x16xf32, #tpu.memory_space<hbm>>) target(%arg11 : memref<184x16xf32, #tpu.memory_space<vmem>>) offsets(%dma_start3A_190 : memref<184xi32, #tpu.memory_space<vmem>>) semaphore(%arg14 : memref<!tpu.dma_semaphore, #tpu.memory_space<semaphore_mem>>)
    %dma_wait3A_194 = arith.constant 736 : i32
    %dma_wait3A_195 = tpu.memref_slice %arg6[%dma_wait3A_194] : memref<3128xi32, #tpu.memory_space<vmem>> -> memref<184xi32, #tpu.memory_space<vmem>>
    %dma_wait3A_196 = arith.constant 0 : i32
    %dma_wait3A_197 = arith.constant 0 : i32
    %dma_wait3A_198 = tpu.memref_slice %arg2[%dma_wait3A_196, %dma_wait3A_197] : memref<800768x16xf32, #tpu.memory_space<hbm>> -> memref<800768x16xf32, #tpu.memory_space<hbm>>
    tpu.wait_indirect_dma semaphore(%arg13 : memref<!tpu.dma_semaphore, #tpu.memory_space<semaphore_mem>>) src(%dma_wait3A_198 : memref<800768x16xf32, #tpu.memory_space<hbm>>) dst(%arg8 : memref<184x16xf32, #tpu.memory_space<vmem>>)
    %dma_wait3A_199 = arith.constant 736 : i32
    %dma_wait3A_200 = tpu.memref_slice %arg7[%dma_wait3A_199] : memref<3128xi32, #tpu.memory_space<vmem>> -> memref<184xi32, #tpu.memory_space<vmem>>
    %dma_wait3A_201 = arith.constant 0 : i32
    %dma_wait3A_202 = arith.constant 0 : i32
    %dma_wait3A_203 = tpu.memref_slice %arg2[%dma_wait3A_201, %dma_wait3A_202] : memref<800768x16xf32, #tpu.memory_space<hbm>> -> memref<800768x16xf32, #tpu.memory_space<hbm>>
    tpu.wait_indirect_dma semaphore(%arg14 : memref<!tpu.dma_semaphore, #tpu.memory_space<semaphore_mem>>) src(%dma_wait3A_203 : memref<800768x16xf32, #tpu.memory_space<hbm>>) dst(%arg10 : memref<184x16xf32, #tpu.memory_space<vmem>>)
    %scan3A_204 = arith.constant 0 : i32
    %scan3A_205 = arith.constant 0 : i32
    %scan3A_206 = arith.constant 184 : i32
    %scan3A_207 = arith.addi %scan3A_205, %scan3A_206 : i32
    %scan3A_208 = arith.constant 1 : i32
    scf.for %scan3A_618 = %scan3A_205 to %scan3A_207 step %scan3A_208  : i32 {
      %get3A = arith.index_cast %scan3A_618 : i32 to index
      %get3A_619 = arith.constant 0 : index
      %get3A_620 = tpu.vector_load %arg8[%get3A, %get3A_619] {strides = array<i32>} : memref<184x16xf32, #tpu.memory_space<vmem>>, vector<1x16xf32>,
      %get3A_621 = vector.shape_cast %get3A_620 : vector<1x16xf32> to vector<16xf32>
      %get3A_622 = arith.index_cast %scan3A_618 : i32 to index
      %get3A_623 = arith.constant 0 : index
      %get3A_624 = tpu.vector_load %arg10[%get3A_622, %get3A_623] {strides = array<i32>} : memref<184x16xf32, #tpu.memory_space<vmem>>, vector<1x16xf32>,
      %get3A_625 = vector.shape_cast %get3A_624 : vector<1x16xf32> to vector<16xf32>
      %add3A_626 = arith.addf %get3A_621, %get3A_625 : vector<16xf32>
      %swap3A = arith.index_cast %scan3A_618 : i32 to index
      %swap3A_627 = arith.constant 0 : index
      %swap3A_628 = tpu.vector_load %arg8[%swap3A, %swap3A_627] {strides = array<i32>} : memref<184x16xf32, #tpu.memory_space<vmem>>, vector<1x16xf32>,
      %swap3A_629 = vector.shape_cast %swap3A_628 : vector<1x16xf32> to vector<16xf32>
      %swap3A_630 = vector.shape_cast %add3A_626 : vector<16xf32> to vector<1x16xf32>
      tpu.vector_store %arg8[%swap3A, %swap3A_627], %swap3A_630 {strides = array<i32>} : memref<184x16xf32, #tpu.memory_space<vmem>>, vector<1x16xf32>,
    }
    %scan3A_209 = arith.constant 184 : i32
    %add3A_210 = arith.constant 736 : i32
    %add3A_211 = arith.addi %mul3A_34, %add3A_210 : i32
    %mul3A_212 = arith.constant 16 : i32
    %mul3A_213 = arith.muli %mul3A_212, %select_n3A : i32
    %dma_start3A_214 = tpu.memref_slice %arg5[%add3A_211, %mul3A_213] : memref<12512x128xf32, #tpu.memory_space<hbm>> -> memref<184x16xf32, #tpu.memory_space<hbm>>
    %dma_start3A_215 = tpu.memref_slice %arg5[%add3A_211, %mul3A_213] : memref<12512x128xf32, #tpu.memory_space<hbm>> -> memref<184x16xf32, #tpu.memory_space<hbm>>
    tpu.enqueue_dma source(%arg8 : memref<184x16xf32, #tpu.memory_space<vmem>>) target(%dma_start3A_215 : memref<184x16xf32, #tpu.memory_space<hbm>>) target_semaphore(%arg15 : memref<!tpu.dma_semaphore, #tpu.memory_space<semaphore_mem>>)
    %dma_wait3A_216 = tpu.memref_slice %arg5[%add3A_177, %mul3A_179] : memref<12512x128xf32, #tpu.memory_space<hbm>> -> memref<184x16xf32, #tpu.memory_space<hbm>>
    %dma_wait3A_217 = tpu.memref_slice %arg5[%add3A_177, %mul3A_179] : memref<12512x128xf32, #tpu.memory_space<hbm>> -> memref<184x16xf32, #tpu.memory_space<hbm>>
    tpu.wait_dma2 semaphore(%arg15 : memref<!tpu.dma_semaphore, #tpu.memory_space<semaphore_mem>>) src(%arg9 : memref<184x16xf32, #tpu.memory_space<vmem>>) dst(%dma_wait3A_217 : memref<184x16xf32, #tpu.memory_space<hbm>>)
    %dma_start3A_218 = arith.constant 1104 : i32
    %dma_start3A_219 = tpu.memref_slice %arg6[%dma_start3A_218] : memref<3128xi32, #tpu.memory_space<vmem>> -> memref<184xi32, #tpu.memory_space<vmem>>
    %dma_start3A_220 = arith.constant 0 : i32
    %dma_start3A_221 = arith.constant 0 : i32
    %dma_start3A_222 = tpu.memref_slice %arg2[%dma_start3A_220, %dma_start3A_221] : memref<800768x16xf32, #tpu.memory_space<hbm>> -> memref<800768x16xf32, #tpu.memory_space<hbm>>
    tpu.enqueue_indirect_dma source(%dma_start3A_222 : memref<800768x16xf32, #tpu.memory_space<hbm>>) target(%arg8 : memref<184x16xf32, #tpu.memory_space<vmem>>) offsets(%dma_start3A_219 : memref<184xi32, #tpu.memory_space<vmem>>) semaphore(%arg13 : memref<!tpu.dma_semaphore, #tpu.memory_space<semaphore_mem>>)
    %dma_start3A_223 = arith.constant 1104 : i32
    %dma_start3A_224 = tpu.memref_slice %arg7[%dma_start3A_223] : memref<3128xi32, #tpu.memory_space<vmem>> -> memref<184xi32, #tpu.memory_space<vmem>>
    %dma_start3A_225 = arith.constant 0 : i32
    %dma_start3A_226 = arith.constant 0 : i32
    %dma_start3A_227 = tpu.memref_slice %arg2[%dma_start3A_225, %dma_start3A_226] : memref<800768x16xf32, #tpu.memory_space<hbm>> -> memref<800768x16xf32, #tpu.memory_space<hbm>>
    tpu.enqueue_indirect_dma source(%dma_start3A_227 : memref<800768x16xf32, #tpu.memory_space<hbm>>) target(%arg10 : memref<184x16xf32, #tpu.memory_space<vmem>>) offsets(%dma_start3A_224 : memref<184xi32, #tpu.memory_space<vmem>>) semaphore(%arg14 : memref<!tpu.dma_semaphore, #tpu.memory_space<semaphore_mem>>)
    %dma_wait3A_228 = arith.constant 920 : i32
    %dma_wait3A_229 = tpu.memref_slice %arg6[%dma_wait3A_228] : memref<3128xi32, #tpu.memory_space<vmem>> -> memref<184xi32, #tpu.memory_space<vmem>>
    %dma_wait3A_230 = arith.constant 0 : i32
    %dma_wait3A_231 = arith.constant 0 : i32
    %dma_wait3A_232 = tpu.memref_slice %arg2[%dma_wait3A_230, %dma_wait3A_231] : memref<800768x16xf32, #tpu.memory_space<hbm>> -> memref<800768x16xf32, #tpu.memory_space<hbm>>
    tpu.wait_indirect_dma semaphore(%arg13 : memref<!tpu.dma_semaphore, #tpu.memory_space<semaphore_mem>>) src(%dma_wait3A_232 : memref<800768x16xf32, #tpu.memory_space<hbm>>) dst(%arg9 : memref<184x16xf32, #tpu.memory_space<vmem>>)
    %dma_wait3A_233 = arith.constant 920 : i32
    %dma_wait3A_234 = tpu.memref_slice %arg7[%dma_wait3A_233] : memref<3128xi32, #tpu.memory_space<vmem>> -> memref<184xi32, #tpu.memory_space<vmem>>
    %dma_wait3A_235 = arith.constant 0 : i32
    %dma_wait3A_236 = arith.constant 0 : i32
    %dma_wait3A_237 = tpu.memref_slice %arg2[%dma_wait3A_235, %dma_wait3A_236] : memref<800768x16xf32, #tpu.memory_space<hbm>> -> memref<800768x16xf32, #tpu.memory_space<hbm>>
    tpu.wait_indirect_dma semaphore(%arg14 : memref<!tpu.dma_semaphore, #tpu.memory_space<semaphore_mem>>) src(%dma_wait3A_237 : memref<800768x16xf32, #tpu.memory_space<hbm>>) dst(%arg11 : memref<184x16xf32, #tpu.memory_space<vmem>>)
    %scan3A_238 = arith.constant 0 : i32
    %scan3A_239 = arith.constant 0 : i32
    %scan3A_240 = arith.constant 184 : i32
    %scan3A_241 = arith.addi %scan3A_239, %scan3A_240 : i32
    %scan3A_242 = arith.constant 1 : i32
    scf.for %scan3A_618 = %scan3A_239 to %scan3A_241 step %scan3A_242  : i32 {
      %get3A = arith.index_cast %scan3A_618 : i32 to index
      %get3A_619 = arith.constant 0 : index
      %get3A_620 = tpu.vector_load %arg9[%get3A, %get3A_619] {strides = array<i32>} : memref<184x16xf32, #tpu.memory_space<vmem>>, vector<1x16xf32>,
      %get3A_621 = vector.shape_cast %get3A_620 : vector<1x16xf32> to vector<16xf32>
      %get3A_622 = arith.index_cast %scan3A_618 : i32 to index
      %get3A_623 = arith.constant 0 : index
      %get3A_624 = tpu.vector_load %arg11[%get3A_622, %get3A_623] {strides = array<i32>} : memref<184x16xf32, #tpu.memory_space<vmem>>, vector<1x16xf32>,
      %get3A_625 = vector.shape_cast %get3A_624 : vector<1x16xf32> to vector<16xf32>
      %add3A_626 = arith.addf %get3A_621, %get3A_625 : vector<16xf32>
      %swap3A = arith.index_cast %scan3A_618 : i32 to index
      %swap3A_627 = arith.constant 0 : index
      %swap3A_628 = tpu.vector_load %arg9[%swap3A, %swap3A_627] {strides = array<i32>} : memref<184x16xf32, #tpu.memory_space<vmem>>, vector<1x16xf32>,
      %swap3A_629 = vector.shape_cast %swap3A_628 : vector<1x16xf32> to vector<16xf32>
      %swap3A_630 = vector.shape_cast %add3A_626 : vector<16xf32> to vector<1x16xf32>
      tpu.vector_store %arg9[%swap3A, %swap3A_627], %swap3A_630 {strides = array<i32>} : memref<184x16xf32, #tpu.memory_space<vmem>>, vector<1x16xf32>,
    }
    %scan3A_243 = arith.constant 184 : i32
    %add3A_244 = arith.constant 920 : i32
    %add3A_245 = arith.addi %mul3A_34, %add3A_244 : i32
    %mul3A_246 = arith.constant 16 : i32
    %mul3A_247 = arith.muli %mul3A_246, %select_n3A : i32
    %dma_start3A_248 = tpu.memref_slice %arg5[%add3A_245, %mul3A_247] : memref<12512x128xf32, #tpu.memory_space<hbm>> -> memref<184x16xf32, #tpu.memory_space<hbm>>
    %dma_start3A_249 = tpu.memref_slice %arg5[%add3A_245, %mul3A_247] : memref<12512x128xf32, #tpu.memory_space<hbm>> -> memref<184x16xf32, #tpu.memory_space<hbm>>
    tpu.enqueue_dma source(%arg9 : memref<184x16xf32, #tpu.memory_space<vmem>>) target(%dma_start3A_249 : memref<184x16xf32, #tpu.memory_space<hbm>>) target_semaphore(%arg15 : memref<!tpu.dma_semaphore, #tpu.memory_space<semaphore_mem>>)
    %dma_wait3A_250 = tpu.memref_slice %arg5[%add3A_211, %mul3A_213] : memref<12512x128xf32, #tpu.memory_space<hbm>> -> memref<184x16xf32, #tpu.memory_space<hbm>>
    %dma_wait3A_251 = tpu.memref_slice %arg5[%add3A_211, %mul3A_213] : memref<12512x128xf32, #tpu.memory_space<hbm>> -> memref<184x16xf32, #tpu.memory_space<hbm>>
    tpu.wait_dma2 semaphore(%arg15 : memref<!tpu.dma_semaphore, #tpu.memory_space<semaphore_mem>>) src(%arg8 : memref<184x16xf32, #tpu.memory_space<vmem>>) dst(%dma_wait3A_251 : memref<184x16xf32, #tpu.memory_space<hbm>>)
    %dma_start3A_252 = arith.constant 1288 : i32
    %dma_start3A_253 = tpu.memref_slice %arg6[%dma_start3A_252] : memref<3128xi32, #tpu.memory_space<vmem>> -> memref<184xi32, #tpu.memory_space<vmem>>
    %dma_start3A_254 = arith.constant 0 : i32
    %dma_start3A_255 = arith.constant 0 : i32
    %dma_start3A_256 = tpu.memref_slice %arg2[%dma_start3A_254, %dma_start3A_255] : memref<800768x16xf32, #tpu.memory_space<hbm>> -> memref<800768x16xf32, #tpu.memory_space<hbm>>
    tpu.enqueue_indirect_dma source(%dma_start3A_256 : memref<800768x16xf32, #tpu.memory_space<hbm>>) target(%arg9 : memref<184x16xf32, #tpu.memory_space<vmem>>) offsets(%dma_start3A_253 : memref<184xi32, #tpu.memory_space<vmem>>) semaphore(%arg13 : memref<!tpu.dma_semaphore, #tpu.memory_space<semaphore_mem>>)
    %dma_start3A_257 = arith.constant 1288 : i32
    %dma_start3A_258 = tpu.memref_slice %arg7[%dma_start3A_257] : memref<3128xi32, #tpu.memory_space<vmem>> -> memref<184xi32, #tpu.memory_space<vmem>>
    %dma_start3A_259 = arith.constant 0 : i32
    %dma_start3A_260 = arith.constant 0 : i32
    %dma_start3A_261 = tpu.memref_slice %arg2[%dma_start3A_259, %dma_start3A_260] : memref<800768x16xf32, #tpu.memory_space<hbm>> -> memref<800768x16xf32, #tpu.memory_space<hbm>>
    tpu.enqueue_indirect_dma source(%dma_start3A_261 : memref<800768x16xf32, #tpu.memory_space<hbm>>) target(%arg11 : memref<184x16xf32, #tpu.memory_space<vmem>>) offsets(%dma_start3A_258 : memref<184xi32, #tpu.memory_space<vmem>>) semaphore(%arg14 : memref<!tpu.dma_semaphore, #tpu.memory_space<semaphore_mem>>)
    %dma_wait3A_262 = arith.constant 1104 : i32
    %dma_wait3A_263 = tpu.memref_slice %arg6[%dma_wait3A_262] : memref<3128xi32, #tpu.memory_space<vmem>> -> memref<184xi32, #tpu.memory_space<vmem>>
    %dma_wait3A_264 = arith.constant 0 : i32
    %dma_wait3A_265 = arith.constant 0 : i32
    %dma_wait3A_266 = tpu.memref_slice %arg2[%dma_wait3A_264, %dma_wait3A_265] : memref<800768x16xf32, #tpu.memory_space<hbm>> -> memref<800768x16xf32, #tpu.memory_space<hbm>>
    tpu.wait_indirect_dma semaphore(%arg13 : memref<!tpu.dma_semaphore, #tpu.memory_space<semaphore_mem>>) src(%dma_wait3A_266 : memref<800768x16xf32, #tpu.memory_space<hbm>>) dst(%arg8 : memref<184x16xf32, #tpu.memory_space<vmem>>)
    %dma_wait3A_267 = arith.constant 1104 : i32
    %dma_wait3A_268 = tpu.memref_slice %arg7[%dma_wait3A_267] : memref<3128xi32, #tpu.memory_space<vmem>> -> memref<184xi32, #tpu.memory_space<vmem>>
    %dma_wait3A_269 = arith.constant 0 : i32
    %dma_wait3A_270 = arith.constant 0 : i32
    %dma_wait3A_271 = tpu.memref_slice %arg2[%dma_wait3A_269, %dma_wait3A_270] : memref<800768x16xf32, #tpu.memory_space<hbm>> -> memref<800768x16xf32, #tpu.memory_space<hbm>>
    tpu.wait_indirect_dma semaphore(%arg14 : memref<!tpu.dma_semaphore, #tpu.memory_space<semaphore_mem>>) src(%dma_wait3A_271 : memref<800768x16xf32, #tpu.memory_space<hbm>>) dst(%arg10 : memref<184x16xf32, #tpu.memory_space<vmem>>)
    %scan3A_272 = arith.constant 0 : i32
    %scan3A_273 = arith.constant 0 : i32
    %scan3A_274 = arith.constant 184 : i32
    %scan3A_275 = arith.addi %scan3A_273, %scan3A_274 : i32
    %scan3A_276 = arith.constant 1 : i32
    scf.for %scan3A_618 = %scan3A_273 to %scan3A_275 step %scan3A_276  : i32 {
      %get3A = arith.index_cast %scan3A_618 : i32 to index
      %get3A_619 = arith.constant 0 : index
      %get3A_620 = tpu.vector_load %arg8[%get3A, %get3A_619] {strides = array<i32>} : memref<184x16xf32, #tpu.memory_space<vmem>>, vector<1x16xf32>,
      %get3A_621 = vector.shape_cast %get3A_620 : vector<1x16xf32> to vector<16xf32>
      %get3A_622 = arith.index_cast %scan3A_618 : i32 to index
      %get3A_623 = arith.constant 0 : index
      %get3A_624 = tpu.vector_load %arg10[%get3A_622, %get3A_623] {strides = array<i32>} : memref<184x16xf32, #tpu.memory_space<vmem>>, vector<1x16xf32>,
      %get3A_625 = vector.shape_cast %get3A_624 : vector<1x16xf32> to vector<16xf32>
      %add3A_626 = arith.addf %get3A_621, %get3A_625 : vector<16xf32>
      %swap3A = arith.index_cast %scan3A_618 : i32 to index
      %swap3A_627 = arith.constant 0 : index
      %swap3A_628 = tpu.vector_load %arg8[%swap3A, %swap3A_627] {strides = array<i32>} : memref<184x16xf32, #tpu.memory_space<vmem>>, vector<1x16xf32>,
      %swap3A_629 = vector.shape_cast %swap3A_628 : vector<1x16xf32> to vector<16xf32>
      %swap3A_630 = vector.shape_cast %add3A_626 : vector<16xf32> to vector<1x16xf32>
      tpu.vector_store %arg8[%swap3A, %swap3A_627], %swap3A_630 {strides = array<i32>} : memref<184x16xf32, #tpu.memory_space<vmem>>, vector<1x16xf32>,
    }
    %scan3A_277 = arith.constant 184 : i32
    %add3A_278 = arith.constant 1104 : i32
    %add3A_279 = arith.addi %mul3A_34, %add3A_278 : i32
    %mul3A_280 = arith.constant 16 : i32
    %mul3A_281 = arith.muli %mul3A_280, %select_n3A : i32
    %dma_start3A_282 = tpu.memref_slice %arg5[%add3A_279, %mul3A_281] : memref<12512x128xf32, #tpu.memory_space<hbm>> -> memref<184x16xf32, #tpu.memory_space<hbm>>
    %dma_start3A_283 = tpu.memref_slice %arg5[%add3A_279, %mul3A_281] : memref<12512x128xf32, #tpu.memory_space<hbm>> -> memref<184x16xf32, #tpu.memory_space<hbm>>
    tpu.enqueue_dma source(%arg8 : memref<184x16xf32, #tpu.memory_space<vmem>>) target(%dma_start3A_283 : memref<184x16xf32, #tpu.memory_space<hbm>>) target_semaphore(%arg15 : memref<!tpu.dma_semaphore, #tpu.memory_space<semaphore_mem>>)
    %dma_wait3A_284 = tpu.memref_slice %arg5[%add3A_245, %mul3A_247] : memref<12512x128xf32, #tpu.memory_space<hbm>> -> memref<184x16xf32, #tpu.memory_space<hbm>>
    %dma_wait3A_285 = tpu.memref_slice %arg5[%add3A_245, %mul3A_247] : memref<12512x128xf32, #tpu.memory_space<hbm>> -> memref<184x16xf32, #tpu.memory_space<hbm>>
    tpu.wait_dma2 semaphore(%arg15 : memref<!tpu.dma_semaphore, #tpu.memory_space<semaphore_mem>>) src(%arg9 : memref<184x16xf32, #tpu.memory_space<vmem>>) dst(%dma_wait3A_285 : memref<184x16xf32, #tpu.memory_space<hbm>>)
    %dma_start3A_286 = arith.constant 1472 : i32
    %dma_start3A_287 = tpu.memref_slice %arg6[%dma_start3A_286] : memref<3128xi32, #tpu.memory_space<vmem>> -> memref<184xi32, #tpu.memory_space<vmem>>
    %dma_start3A_288 = arith.constant 0 : i32
    %dma_start3A_289 = arith.constant 0 : i32
    %dma_start3A_290 = tpu.memref_slice %arg2[%dma_start3A_288, %dma_start3A_289] : memref<800768x16xf32, #tpu.memory_space<hbm>> -> memref<800768x16xf32, #tpu.memory_space<hbm>>
    tpu.enqueue_indirect_dma source(%dma_start3A_290 : memref<800768x16xf32, #tpu.memory_space<hbm>>) target(%arg8 : memref<184x16xf32, #tpu.memory_space<vmem>>) offsets(%dma_start3A_287 : memref<184xi32, #tpu.memory_space<vmem>>) semaphore(%arg13 : memref<!tpu.dma_semaphore, #tpu.memory_space<semaphore_mem>>)
    %dma_start3A_291 = arith.constant 1472 : i32
    %dma_start3A_292 = tpu.memref_slice %arg7[%dma_start3A_291] : memref<3128xi32, #tpu.memory_space<vmem>> -> memref<184xi32, #tpu.memory_space<vmem>>
    %dma_start3A_293 = arith.constant 0 : i32
    %dma_start3A_294 = arith.constant 0 : i32
    %dma_start3A_295 = tpu.memref_slice %arg2[%dma_start3A_293, %dma_start3A_294] : memref<800768x16xf32, #tpu.memory_space<hbm>> -> memref<800768x16xf32, #tpu.memory_space<hbm>>
    tpu.enqueue_indirect_dma source(%dma_start3A_295 : memref<800768x16xf32, #tpu.memory_space<hbm>>) target(%arg10 : memref<184x16xf32, #tpu.memory_space<vmem>>) offsets(%dma_start3A_292 : memref<184xi32, #tpu.memory_space<vmem>>) semaphore(%arg14 : memref<!tpu.dma_semaphore, #tpu.memory_space<semaphore_mem>>)
    %dma_wait3A_296 = arith.constant 1288 : i32
    %dma_wait3A_297 = tpu.memref_slice %arg6[%dma_wait3A_296] : memref<3128xi32, #tpu.memory_space<vmem>> -> memref<184xi32, #tpu.memory_space<vmem>>
    %dma_wait3A_298 = arith.constant 0 : i32
    %dma_wait3A_299 = arith.constant 0 : i32
    %dma_wait3A_300 = tpu.memref_slice %arg2[%dma_wait3A_298, %dma_wait3A_299] : memref<800768x16xf32, #tpu.memory_space<hbm>> -> memref<800768x16xf32, #tpu.memory_space<hbm>>
    tpu.wait_indirect_dma semaphore(%arg13 : memref<!tpu.dma_semaphore, #tpu.memory_space<semaphore_mem>>) src(%dma_wait3A_300 : memref<800768x16xf32, #tpu.memory_space<hbm>>) dst(%arg9 : memref<184x16xf32, #tpu.memory_space<vmem>>)
    %dma_wait3A_301 = arith.constant 1288 : i32
    %dma_wait3A_302 = tpu.memref_slice %arg7[%dma_wait3A_301] : memref<3128xi32, #tpu.memory_space<vmem>> -> memref<184xi32, #tpu.memory_space<vmem>>
    %dma_wait3A_303 = arith.constant 0 : i32
    %dma_wait3A_304 = arith.constant 0 : i32
    %dma_wait3A_305 = tpu.memref_slice %arg2[%dma_wait3A_303, %dma_wait3A_304] : memref<800768x16xf32, #tpu.memory_space<hbm>> -> memref<800768x16xf32, #tpu.memory_space<hbm>>
    tpu.wait_indirect_dma semaphore(%arg14 : memref<!tpu.dma_semaphore, #tpu.memory_space<semaphore_mem>>) src(%dma_wait3A_305 : memref<800768x16xf32, #tpu.memory_space<hbm>>) dst(%arg11 : memref<184x16xf32, #tpu.memory_space<vmem>>)
    %scan3A_306 = arith.constant 0 : i32
    %scan3A_307 = arith.constant 0 : i32
    %scan3A_308 = arith.constant 184 : i32
    %scan3A_309 = arith.addi %scan3A_307, %scan3A_308 : i32
    %scan3A_310 = arith.constant 1 : i32
    scf.for %scan3A_618 = %scan3A_307 to %scan3A_309 step %scan3A_310  : i32 {
      %get3A = arith.index_cast %scan3A_618 : i32 to index
      %get3A_619 = arith.constant 0 : index
      %get3A_620 = tpu.vector_load %arg9[%get3A, %get3A_619] {strides = array<i32>} : memref<184x16xf32, #tpu.memory_space<vmem>>, vector<1x16xf32>,
      %get3A_621 = vector.shape_cast %get3A_620 : vector<1x16xf32> to vector<16xf32>
      %get3A_622 = arith.index_cast %scan3A_618 : i32 to index
      %get3A_623 = arith.constant 0 : index
      %get3A_624 = tpu.vector_load %arg11[%get3A_622, %get3A_623] {strides = array<i32>} : memref<184x16xf32, #tpu.memory_space<vmem>>, vector<1x16xf32>,
      %get3A_625 = vector.shape_cast %get3A_624 : vector<1x16xf32> to vector<16xf32>
      %add3A_626 = arith.addf %get3A_621, %get3A_625 : vector<16xf32>
      %swap3A = arith.index_cast %scan3A_618 : i32 to index
      %swap3A_627 = arith.constant 0 : index
      %swap3A_628 = tpu.vector_load %arg9[%swap3A, %swap3A_627] {strides = array<i32>} : memref<184x16xf32, #tpu.memory_space<vmem>>, vector<1x16xf32>,
      %swap3A_629 = vector.shape_cast %swap3A_628 : vector<1x16xf32> to vector<16xf32>
      %swap3A_630 = vector.shape_cast %add3A_626 : vector<16xf32> to vector<1x16xf32>
      tpu.vector_store %arg9[%swap3A, %swap3A_627], %swap3A_630 {strides = array<i32>} : memref<184x16xf32, #tpu.memory_space<vmem>>, vector<1x16xf32>,
    }
    %scan3A_311 = arith.constant 184 : i32
    %add3A_312 = arith.constant 1288 : i32
    %add3A_313 = arith.addi %mul3A_34, %add3A_312 : i32
    %mul3A_314 = arith.constant 16 : i32
    %mul3A_315 = arith.muli %mul3A_314, %select_n3A : i32
    %dma_start3A_316 = tpu.memref_slice %arg5[%add3A_313, %mul3A_315] : memref<12512x128xf32, #tpu.memory_space<hbm>> -> memref<184x16xf32, #tpu.memory_space<hbm>>
    %dma_start3A_317 = tpu.memref_slice %arg5[%add3A_313, %mul3A_315] : memref<12512x128xf32, #tpu.memory_space<hbm>> -> memref<184x16xf32, #tpu.memory_space<hbm>>
    tpu.enqueue_dma source(%arg9 : memref<184x16xf32, #tpu.memory_space<vmem>>) target(%dma_start3A_317 : memref<184x16xf32, #tpu.memory_space<hbm>>) target_semaphore(%arg15 : memref<!tpu.dma_semaphore, #tpu.memory_space<semaphore_mem>>)
    %dma_wait3A_318 = tpu.memref_slice %arg5[%add3A_279, %mul3A_281] : memref<12512x128xf32, #tpu.memory_space<hbm>> -> memref<184x16xf32, #tpu.memory_space<hbm>>
    %dma_wait3A_319 = tpu.memref_slice %arg5[%add3A_279, %mul3A_281] : memref<12512x128xf32, #tpu.memory_space<hbm>> -> memref<184x16xf32, #tpu.memory_space<hbm>>
    tpu.wait_dma2 semaphore(%arg15 : memref<!tpu.dma_semaphore, #tpu.memory_space<semaphore_mem>>) src(%arg8 : memref<184x16xf32, #tpu.memory_space<vmem>>) dst(%dma_wait3A_319 : memref<184x16xf32, #tpu.memory_space<hbm>>)
    %dma_start3A_320 = arith.constant 1656 : i32
    %dma_start3A_321 = tpu.memref_slice %arg6[%dma_start3A_320] : memref<3128xi32, #tpu.memory_space<vmem>> -> memref<184xi32, #tpu.memory_space<vmem>>
    %dma_start3A_322 = arith.constant 0 : i32
    %dma_start3A_323 = arith.constant 0 : i32
    %dma_start3A_324 = tpu.memref_slice %arg2[%dma_start3A_322, %dma_start3A_323] : memref<800768x16xf32, #tpu.memory_space<hbm>> -> memref<800768x16xf32, #tpu.memory_space<hbm>>
    tpu.enqueue_indirect_dma source(%dma_start3A_324 : memref<800768x16xf32, #tpu.memory_space<hbm>>) target(%arg9 : memref<184x16xf32, #tpu.memory_space<vmem>>) offsets(%dma_start3A_321 : memref<184xi32, #tpu.memory_space<vmem>>) semaphore(%arg13 : memref<!tpu.dma_semaphore, #tpu.memory_space<semaphore_mem>>)
    %dma_start3A_325 = arith.constant 1656 : i32
    %dma_start3A_326 = tpu.memref_slice %arg7[%dma_start3A_325] : memref<3128xi32, #tpu.memory_space<vmem>> -> memref<184xi32, #tpu.memory_space<vmem>>
    %dma_start3A_327 = arith.constant 0 : i32
    %dma_start3A_328 = arith.constant 0 : i32
    %dma_start3A_329 = tpu.memref_slice %arg2[%dma_start3A_327, %dma_start3A_328] : memref<800768x16xf32, #tpu.memory_space<hbm>> -> memref<800768x16xf32, #tpu.memory_space<hbm>>
    tpu.enqueue_indirect_dma source(%dma_start3A_329 : memref<800768x16xf32, #tpu.memory_space<hbm>>) target(%arg11 : memref<184x16xf32, #tpu.memory_space<vmem>>) offsets(%dma_start3A_326 : memref<184xi32, #tpu.memory_space<vmem>>) semaphore(%arg14 : memref<!tpu.dma_semaphore, #tpu.memory_space<semaphore_mem>>)
    %dma_wait3A_330 = arith.constant 1472 : i32
    %dma_wait3A_331 = tpu.memref_slice %arg6[%dma_wait3A_330] : memref<3128xi32, #tpu.memory_space<vmem>> -> memref<184xi32, #tpu.memory_space<vmem>>
    %dma_wait3A_332 = arith.constant 0 : i32
    %dma_wait3A_333 = arith.constant 0 : i32
    %dma_wait3A_334 = tpu.memref_slice %arg2[%dma_wait3A_332, %dma_wait3A_333] : memref<800768x16xf32, #tpu.memory_space<hbm>> -> memref<800768x16xf32, #tpu.memory_space<hbm>>
    tpu.wait_indirect_dma semaphore(%arg13 : memref<!tpu.dma_semaphore, #tpu.memory_space<semaphore_mem>>) src(%dma_wait3A_334 : memref<800768x16xf32, #tpu.memory_space<hbm>>) dst(%arg8 : memref<184x16xf32, #tpu.memory_space<vmem>>)
    %dma_wait3A_335 = arith.constant 1472 : i32
    %dma_wait3A_336 = tpu.memref_slice %arg7[%dma_wait3A_335] : memref<3128xi32, #tpu.memory_space<vmem>> -> memref<184xi32, #tpu.memory_space<vmem>>
    %dma_wait3A_337 = arith.constant 0 : i32
    %dma_wait3A_338 = arith.constant 0 : i32
    %dma_wait3A_339 = tpu.memref_slice %arg2[%dma_wait3A_337, %dma_wait3A_338] : memref<800768x16xf32, #tpu.memory_space<hbm>> -> memref<800768x16xf32, #tpu.memory_space<hbm>>
    tpu.wait_indirect_dma semaphore(%arg14 : memref<!tpu.dma_semaphore, #tpu.memory_space<semaphore_mem>>) src(%dma_wait3A_339 : memref<800768x16xf32, #tpu.memory_space<hbm>>) dst(%arg10 : memref<184x16xf32, #tpu.memory_space<vmem>>)
    %scan3A_340 = arith.constant 0 : i32
    %scan3A_341 = arith.constant 0 : i32
    %scan3A_342 = arith.constant 184 : i32
    %scan3A_343 = arith.addi %scan3A_341, %scan3A_342 : i32
    %scan3A_344 = arith.constant 1 : i32
    scf.for %scan3A_618 = %scan3A_341 to %scan3A_343 step %scan3A_344  : i32 {
      %get3A = arith.index_cast %scan3A_618 : i32 to index
      %get3A_619 = arith.constant 0 : index
      %get3A_620 = tpu.vector_load %arg8[%get3A, %get3A_619] {strides = array<i32>} : memref<184x16xf32, #tpu.memory_space<vmem>>, vector<1x16xf32>,
      %get3A_621 = vector.shape_cast %get3A_620 : vector<1x16xf32> to vector<16xf32>
      %get3A_622 = arith.index_cast %scan3A_618 : i32 to index
      %get3A_623 = arith.constant 0 : index
      %get3A_624 = tpu.vector_load %arg10[%get3A_622, %get3A_623] {strides = array<i32>} : memref<184x16xf32, #tpu.memory_space<vmem>>, vector<1x16xf32>,
      %get3A_625 = vector.shape_cast %get3A_624 : vector<1x16xf32> to vector<16xf32>
      %add3A_626 = arith.addf %get3A_621, %get3A_625 : vector<16xf32>
      %swap3A = arith.index_cast %scan3A_618 : i32 to index
      %swap3A_627 = arith.constant 0 : index
      %swap3A_628 = tpu.vector_load %arg8[%swap3A, %swap3A_627] {strides = array<i32>} : memref<184x16xf32, #tpu.memory_space<vmem>>, vector<1x16xf32>,
      %swap3A_629 = vector.shape_cast %swap3A_628 : vector<1x16xf32> to vector<16xf32>
      %swap3A_630 = vector.shape_cast %add3A_626 : vector<16xf32> to vector<1x16xf32>
      tpu.vector_store %arg8[%swap3A, %swap3A_627], %swap3A_630 {strides = array<i32>} : memref<184x16xf32, #tpu.memory_space<vmem>>, vector<1x16xf32>,
    }
    %scan3A_345 = arith.constant 184 : i32
    %add3A_346 = arith.constant 1472 : i32
    %add3A_347 = arith.addi %mul3A_34, %add3A_346 : i32
    %mul3A_348 = arith.constant 16 : i32
    %mul3A_349 = arith.muli %mul3A_348, %select_n3A : i32
    %dma_start3A_350 = tpu.memref_slice %arg5[%add3A_347, %mul3A_349] : memref<12512x128xf32, #tpu.memory_space<hbm>> -> memref<184x16xf32, #tpu.memory_space<hbm>>
    %dma_start3A_351 = tpu.memref_slice %arg5[%add3A_347, %mul3A_349] : memref<12512x128xf32, #tpu.memory_space<hbm>> -> memref<184x16xf32, #tpu.memory_space<hbm>>
    tpu.enqueue_dma source(%arg8 : memref<184x16xf32, #tpu.memory_space<vmem>>) target(%dma_start3A_351 : memref<184x16xf32, #tpu.memory_space<hbm>>) target_semaphore(%arg15 : memref<!tpu.dma_semaphore, #tpu.memory_space<semaphore_mem>>)
    %dma_wait3A_352 = tpu.memref_slice %arg5[%add3A_313, %mul3A_315] : memref<12512x128xf32, #tpu.memory_space<hbm>> -> memref<184x16xf32, #tpu.memory_space<hbm>>
    %dma_wait3A_353 = tpu.memref_slice %arg5[%add3A_313, %mul3A_315] : memref<12512x128xf32, #tpu.memory_space<hbm>> -> memref<184x16xf32, #tpu.memory_space<hbm>>
    tpu.wait_dma2 semaphore(%arg15 : memref<!tpu.dma_semaphore, #tpu.memory_space<semaphore_mem>>) src(%arg9 : memref<184x16xf32, #tpu.memory_space<vmem>>) dst(%dma_wait3A_353 : memref<184x16xf32, #tpu.memory_space<hbm>>)
    %dma_start3A_354 = arith.constant 1840 : i32
    %dma_start3A_355 = tpu.memref_slice %arg6[%dma_start3A_354] : memref<3128xi32, #tpu.memory_space<vmem>> -> memref<184xi32, #tpu.memory_space<vmem>>
    %dma_start3A_356 = arith.constant 0 : i32
    %dma_start3A_357 = arith.constant 0 : i32
    %dma_start3A_358 = tpu.memref_slice %arg2[%dma_start3A_356, %dma_start3A_357] : memref<800768x16xf32, #tpu.memory_space<hbm>> -> memref<800768x16xf32, #tpu.memory_space<hbm>>
    tpu.enqueue_indirect_dma source(%dma_start3A_358 : memref<800768x16xf32, #tpu.memory_space<hbm>>) target(%arg8 : memref<184x16xf32, #tpu.memory_space<vmem>>) offsets(%dma_start3A_355 : memref<184xi32, #tpu.memory_space<vmem>>) semaphore(%arg13 : memref<!tpu.dma_semaphore, #tpu.memory_space<semaphore_mem>>)
    %dma_start3A_359 = arith.constant 1840 : i32
    %dma_start3A_360 = tpu.memref_slice %arg7[%dma_start3A_359] : memref<3128xi32, #tpu.memory_space<vmem>> -> memref<184xi32, #tpu.memory_space<vmem>>
    %dma_start3A_361 = arith.constant 0 : i32
    %dma_start3A_362 = arith.constant 0 : i32
    %dma_start3A_363 = tpu.memref_slice %arg2[%dma_start3A_361, %dma_start3A_362] : memref<800768x16xf32, #tpu.memory_space<hbm>> -> memref<800768x16xf32, #tpu.memory_space<hbm>>
    tpu.enqueue_indirect_dma source(%dma_start3A_363 : memref<800768x16xf32, #tpu.memory_space<hbm>>) target(%arg10 : memref<184x16xf32, #tpu.memory_space<vmem>>) offsets(%dma_start3A_360 : memref<184xi32, #tpu.memory_space<vmem>>) semaphore(%arg14 : memref<!tpu.dma_semaphore, #tpu.memory_space<semaphore_mem>>)
    %dma_wait3A_364 = arith.constant 1656 : i32
    %dma_wait3A_365 = tpu.memref_slice %arg6[%dma_wait3A_364] : memref<3128xi32, #tpu.memory_space<vmem>> -> memref<184xi32, #tpu.memory_space<vmem>>
    %dma_wait3A_366 = arith.constant 0 : i32
    %dma_wait3A_367 = arith.constant 0 : i32
    %dma_wait3A_368 = tpu.memref_slice %arg2[%dma_wait3A_366, %dma_wait3A_367] : memref<800768x16xf32, #tpu.memory_space<hbm>> -> memref<800768x16xf32, #tpu.memory_space<hbm>>
    tpu.wait_indirect_dma semaphore(%arg13 : memref<!tpu.dma_semaphore, #tpu.memory_space<semaphore_mem>>) src(%dma_wait3A_368 : memref<800768x16xf32, #tpu.memory_space<hbm>>) dst(%arg9 : memref<184x16xf32, #tpu.memory_space<vmem>>)
    %dma_wait3A_369 = arith.constant 1656 : i32
    %dma_wait3A_370 = tpu.memref_slice %arg7[%dma_wait3A_369] : memref<3128xi32, #tpu.memory_space<vmem>> -> memref<184xi32, #tpu.memory_space<vmem>>
    %dma_wait3A_371 = arith.constant 0 : i32
    %dma_wait3A_372 = arith.constant 0 : i32
    %dma_wait3A_373 = tpu.memref_slice %arg2[%dma_wait3A_371, %dma_wait3A_372] : memref<800768x16xf32, #tpu.memory_space<hbm>> -> memref<800768x16xf32, #tpu.memory_space<hbm>>
    tpu.wait_indirect_dma semaphore(%arg14 : memref<!tpu.dma_semaphore, #tpu.memory_space<semaphore_mem>>) src(%dma_wait3A_373 : memref<800768x16xf32, #tpu.memory_space<hbm>>) dst(%arg11 : memref<184x16xf32, #tpu.memory_space<vmem>>)
    %scan3A_374 = arith.constant 0 : i32
    %scan3A_375 = arith.constant 0 : i32
    %scan3A_376 = arith.constant 184 : i32
    %scan3A_377 = arith.addi %scan3A_375, %scan3A_376 : i32
    %scan3A_378 = arith.constant 1 : i32
    scf.for %scan3A_618 = %scan3A_375 to %scan3A_377 step %scan3A_378  : i32 {
      %get3A = arith.index_cast %scan3A_618 : i32 to index
      %get3A_619 = arith.constant 0 : index
      %get3A_620 = tpu.vector_load %arg9[%get3A, %get3A_619] {strides = array<i32>} : memref<184x16xf32, #tpu.memory_space<vmem>>, vector<1x16xf32>,
      %get3A_621 = vector.shape_cast %get3A_620 : vector<1x16xf32> to vector<16xf32>
      %get3A_622 = arith.index_cast %scan3A_618 : i32 to index
      %get3A_623 = arith.constant 0 : index
      %get3A_624 = tpu.vector_load %arg11[%get3A_622, %get3A_623] {strides = array<i32>} : memref<184x16xf32, #tpu.memory_space<vmem>>, vector<1x16xf32>,
      %get3A_625 = vector.shape_cast %get3A_624 : vector<1x16xf32> to vector<16xf32>
      %add3A_626 = arith.addf %get3A_621, %get3A_625 : vector<16xf32>
      %swap3A = arith.index_cast %scan3A_618 : i32 to index
      %swap3A_627 = arith.constant 0 : index
      %swap3A_628 = tpu.vector_load %arg9[%swap3A, %swap3A_627] {strides = array<i32>} : memref<184x16xf32, #tpu.memory_space<vmem>>, vector<1x16xf32>,
      %swap3A_629 = vector.shape_cast %swap3A_628 : vector<1x16xf32> to vector<16xf32>
      %swap3A_630 = vector.shape_cast %add3A_626 : vector<16xf32> to vector<1x16xf32>
      tpu.vector_store %arg9[%swap3A, %swap3A_627], %swap3A_630 {strides = array<i32>} : memref<184x16xf32, #tpu.memory_space<vmem>>, vector<1x16xf32>,
    }
    %scan3A_379 = arith.constant 184 : i32
    %add3A_380 = arith.constant 1656 : i32
    %add3A_381 = arith.addi %mul3A_34, %add3A_380 : i32
    %mul3A_382 = arith.constant 16 : i32
    %mul3A_383 = arith.muli %mul3A_382, %select_n3A : i32
    %dma_start3A_384 = tpu.memref_slice %arg5[%add3A_381, %mul3A_383] : memref<12512x128xf32, #tpu.memory_space<hbm>> -> memref<184x16xf32, #tpu.memory_space<hbm>>
    %dma_start3A_385 = tpu.memref_slice %arg5[%add3A_381, %mul3A_383] : memref<12512x128xf32, #tpu.memory_space<hbm>> -> memref<184x16xf32, #tpu.memory_space<hbm>>
    tpu.enqueue_dma source(%arg9 : memref<184x16xf32, #tpu.memory_space<vmem>>) target(%dma_start3A_385 : memref<184x16xf32, #tpu.memory_space<hbm>>) target_semaphore(%arg15 : memref<!tpu.dma_semaphore, #tpu.memory_space<semaphore_mem>>)
    %dma_wait3A_386 = tpu.memref_slice %arg5[%add3A_347, %mul3A_349] : memref<12512x128xf32, #tpu.memory_space<hbm>> -> memref<184x16xf32, #tpu.memory_space<hbm>>
    %dma_wait3A_387 = tpu.memref_slice %arg5[%add3A_347, %mul3A_349] : memref<12512x128xf32, #tpu.memory_space<hbm>> -> memref<184x16xf32, #tpu.memory_space<hbm>>
    tpu.wait_dma2 semaphore(%arg15 : memref<!tpu.dma_semaphore, #tpu.memory_space<semaphore_mem>>) src(%arg8 : memref<184x16xf32, #tpu.memory_space<vmem>>) dst(%dma_wait3A_387 : memref<184x16xf32, #tpu.memory_space<hbm>>)
    %dma_start3A_388 = arith.constant 2024 : i32
    %dma_start3A_389 = tpu.memref_slice %arg6[%dma_start3A_388] : memref<3128xi32, #tpu.memory_space<vmem>> -> memref<184xi32, #tpu.memory_space<vmem>>
    %dma_start3A_390 = arith.constant 0 : i32
    %dma_start3A_391 = arith.constant 0 : i32
    %dma_start3A_392 = tpu.memref_slice %arg2[%dma_start3A_390, %dma_start3A_391] : memref<800768x16xf32, #tpu.memory_space<hbm>> -> memref<800768x16xf32, #tpu.memory_space<hbm>>
    tpu.enqueue_indirect_dma source(%dma_start3A_392 : memref<800768x16xf32, #tpu.memory_space<hbm>>) target(%arg9 : memref<184x16xf32, #tpu.memory_space<vmem>>) offsets(%dma_start3A_389 : memref<184xi32, #tpu.memory_space<vmem>>) semaphore(%arg13 : memref<!tpu.dma_semaphore, #tpu.memory_space<semaphore_mem>>)
    %dma_start3A_393 = arith.constant 2024 : i32
    %dma_start3A_394 = tpu.memref_slice %arg7[%dma_start3A_393] : memref<3128xi32, #tpu.memory_space<vmem>> -> memref<184xi32, #tpu.memory_space<vmem>>
    %dma_start3A_395 = arith.constant 0 : i32
    %dma_start3A_396 = arith.constant 0 : i32
    %dma_start3A_397 = tpu.memref_slice %arg2[%dma_start3A_395, %dma_start3A_396] : memref<800768x16xf32, #tpu.memory_space<hbm>> -> memref<800768x16xf32, #tpu.memory_space<hbm>>
    tpu.enqueue_indirect_dma source(%dma_start3A_397 : memref<800768x16xf32, #tpu.memory_space<hbm>>) target(%arg11 : memref<184x16xf32, #tpu.memory_space<vmem>>) offsets(%dma_start3A_394 : memref<184xi32, #tpu.memory_space<vmem>>) semaphore(%arg14 : memref<!tpu.dma_semaphore, #tpu.memory_space<semaphore_mem>>)
    %dma_wait3A_398 = arith.constant 1840 : i32
    %dma_wait3A_399 = tpu.memref_slice %arg6[%dma_wait3A_398] : memref<3128xi32, #tpu.memory_space<vmem>> -> memref<184xi32, #tpu.memory_space<vmem>>
    %dma_wait3A_400 = arith.constant 0 : i32
    %dma_wait3A_401 = arith.constant 0 : i32
    %dma_wait3A_402 = tpu.memref_slice %arg2[%dma_wait3A_400, %dma_wait3A_401] : memref<800768x16xf32, #tpu.memory_space<hbm>> -> memref<800768x16xf32, #tpu.memory_space<hbm>>
    tpu.wait_indirect_dma semaphore(%arg13 : memref<!tpu.dma_semaphore, #tpu.memory_space<semaphore_mem>>) src(%dma_wait3A_402 : memref<800768x16xf32, #tpu.memory_space<hbm>>) dst(%arg8 : memref<184x16xf32, #tpu.memory_space<vmem>>)
    %dma_wait3A_403 = arith.constant 1840 : i32
    %dma_wait3A_404 = tpu.memref_slice %arg7[%dma_wait3A_403] : memref<3128xi32, #tpu.memory_space<vmem>> -> memref<184xi32, #tpu.memory_space<vmem>>
    %dma_wait3A_405 = arith.constant 0 : i32
    %dma_wait3A_406 = arith.constant 0 : i32
    %dma_wait3A_407 = tpu.memref_slice %arg2[%dma_wait3A_405, %dma_wait3A_406] : memref<800768x16xf32, #tpu.memory_space<hbm>> -> memref<800768x16xf32, #tpu.memory_space<hbm>>
    tpu.wait_indirect_dma semaphore(%arg14 : memref<!tpu.dma_semaphore, #tpu.memory_space<semaphore_mem>>) src(%dma_wait3A_407 : memref<800768x16xf32, #tpu.memory_space<hbm>>) dst(%arg10 : memref<184x16xf32, #tpu.memory_space<vmem>>)
    %scan3A_408 = arith.constant 0 : i32
    %scan3A_409 = arith.constant 0 : i32
    %scan3A_410 = arith.constant 184 : i32
    %scan3A_411 = arith.addi %scan3A_409, %scan3A_410 : i32
    %scan3A_412 = arith.constant 1 : i32
    scf.for %scan3A_618 = %scan3A_409 to %scan3A_411 step %scan3A_412  : i32 {
      %get3A = arith.index_cast %scan3A_618 : i32 to index
      %get3A_619 = arith.constant 0 : index
      %get3A_620 = tpu.vector_load %arg8[%get3A, %get3A_619] {strides = array<i32>} : memref<184x16xf32, #tpu.memory_space<vmem>>, vector<1x16xf32>,
      %get3A_621 = vector.shape_cast %get3A_620 : vector<1x16xf32> to vector<16xf32>
      %get3A_622 = arith.index_cast %scan3A_618 : i32 to index
      %get3A_623 = arith.constant 0 : index
      %get3A_624 = tpu.vector_load %arg10[%get3A_622, %get3A_623] {strides = array<i32>} : memref<184x16xf32, #tpu.memory_space<vmem>>, vector<1x16xf32>,
      %get3A_625 = vector.shape_cast %get3A_624 : vector<1x16xf32> to vector<16xf32>
      %add3A_626 = arith.addf %get3A_621, %get3A_625 : vector<16xf32>
      %swap3A = arith.index_cast %scan3A_618 : i32 to index
      %swap3A_627 = arith.constant 0 : index
      %swap3A_628 = tpu.vector_load %arg8[%swap3A, %swap3A_627] {strides = array<i32>} : memref<184x16xf32, #tpu.memory_space<vmem>>, vector<1x16xf32>,
      %swap3A_629 = vector.shape_cast %swap3A_628 : vector<1x16xf32> to vector<16xf32>
      %swap3A_630 = vector.shape_cast %add3A_626 : vector<16xf32> to vector<1x16xf32>
      tpu.vector_store %arg8[%swap3A, %swap3A_627], %swap3A_630 {strides = array<i32>} : memref<184x16xf32, #tpu.memory_space<vmem>>, vector<1x16xf32>,
    }
    %scan3A_413 = arith.constant 184 : i32
    %add3A_414 = arith.constant 1840 : i32
    %add3A_415 = arith.addi %mul3A_34, %add3A_414 : i32
    %mul3A_416 = arith.constant 16 : i32
    %mul3A_417 = arith.muli %mul3A_416, %select_n3A : i32
    %dma_start3A_418 = tpu.memref_slice %arg5[%add3A_415, %mul3A_417] : memref<12512x128xf32, #tpu.memory_space<hbm>> -> memref<184x16xf32, #tpu.memory_space<hbm>>
    %dma_start3A_419 = tpu.memref_slice %arg5[%add3A_415, %mul3A_417] : memref<12512x128xf32, #tpu.memory_space<hbm>> -> memref<184x16xf32, #tpu.memory_space<hbm>>
    tpu.enqueue_dma source(%arg8 : memref<184x16xf32, #tpu.memory_space<vmem>>) target(%dma_start3A_419 : memref<184x16xf32, #tpu.memory_space<hbm>>) target_semaphore(%arg15 : memref<!tpu.dma_semaphore, #tpu.memory_space<semaphore_mem>>)
    %dma_wait3A_420 = tpu.memref_slice %arg5[%add3A_381, %mul3A_383] : memref<12512x128xf32, #tpu.memory_space<hbm>> -> memref<184x16xf32, #tpu.memory_space<hbm>>
    %dma_wait3A_421 = tpu.memref_slice %arg5[%add3A_381, %mul3A_383] : memref<12512x128xf32, #tpu.memory_space<hbm>> -> memref<184x16xf32, #tpu.memory_space<hbm>>
    tpu.wait_dma2 semaphore(%arg15 : memref<!tpu.dma_semaphore, #tpu.memory_space<semaphore_mem>>) src(%arg9 : memref<184x16xf32, #tpu.memory_space<vmem>>) dst(%dma_wait3A_421 : memref<184x16xf32, #tpu.memory_space<hbm>>)
    %dma_start3A_422 = arith.constant 2208 : i32
    %dma_start3A_423 = tpu.memref_slice %arg6[%dma_start3A_422] : memref<3128xi32, #tpu.memory_space<vmem>> -> memref<184xi32, #tpu.memory_space<vmem>>
    %dma_start3A_424 = arith.constant 0 : i32
    %dma_start3A_425 = arith.constant 0 : i32
    %dma_start3A_426 = tpu.memref_slice %arg2[%dma_start3A_424, %dma_start3A_425] : memref<800768x16xf32, #tpu.memory_space<hbm>> -> memref<800768x16xf32, #tpu.memory_space<hbm>>
    tpu.enqueue_indirect_dma source(%dma_start3A_426 : memref<800768x16xf32, #tpu.memory_space<hbm>>) target(%arg8 : memref<184x16xf32, #tpu.memory_space<vmem>>) offsets(%dma_start3A_423 : memref<184xi32, #tpu.memory_space<vmem>>) semaphore(%arg13 : memref<!tpu.dma_semaphore, #tpu.memory_space<semaphore_mem>>)
    %dma_start3A_427 = arith.constant 2208 : i32
    %dma_start3A_428 = tpu.memref_slice %arg7[%dma_start3A_427] : memref<3128xi32, #tpu.memory_space<vmem>> -> memref<184xi32, #tpu.memory_space<vmem>>
    %dma_start3A_429 = arith.constant 0 : i32
    %dma_start3A_430 = arith.constant 0 : i32
    %dma_start3A_431 = tpu.memref_slice %arg2[%dma_start3A_429, %dma_start3A_430] : memref<800768x16xf32, #tpu.memory_space<hbm>> -> memref<800768x16xf32, #tpu.memory_space<hbm>>
    tpu.enqueue_indirect_dma source(%dma_start3A_431 : memref<800768x16xf32, #tpu.memory_space<hbm>>) target(%arg10 : memref<184x16xf32, #tpu.memory_space<vmem>>) offsets(%dma_start3A_428 : memref<184xi32, #tpu.memory_space<vmem>>) semaphore(%arg14 : memref<!tpu.dma_semaphore, #tpu.memory_space<semaphore_mem>>)
    %dma_wait3A_432 = arith.constant 2024 : i32
    %dma_wait3A_433 = tpu.memref_slice %arg6[%dma_wait3A_432] : memref<3128xi32, #tpu.memory_space<vmem>> -> memref<184xi32, #tpu.memory_space<vmem>>
    %dma_wait3A_434 = arith.constant 0 : i32
    %dma_wait3A_435 = arith.constant 0 : i32
    %dma_wait3A_436 = tpu.memref_slice %arg2[%dma_wait3A_434, %dma_wait3A_435] : memref<800768x16xf32, #tpu.memory_space<hbm>> -> memref<800768x16xf32, #tpu.memory_space<hbm>>
    tpu.wait_indirect_dma semaphore(%arg13 : memref<!tpu.dma_semaphore, #tpu.memory_space<semaphore_mem>>) src(%dma_wait3A_436 : memref<800768x16xf32, #tpu.memory_space<hbm>>) dst(%arg9 : memref<184x16xf32, #tpu.memory_space<vmem>>)
    %dma_wait3A_437 = arith.constant 2024 : i32
    %dma_wait3A_438 = tpu.memref_slice %arg7[%dma_wait3A_437] : memref<3128xi32, #tpu.memory_space<vmem>> -> memref<184xi32, #tpu.memory_space<vmem>>
    %dma_wait3A_439 = arith.constant 0 : i32
    %dma_wait3A_440 = arith.constant 0 : i32
    %dma_wait3A_441 = tpu.memref_slice %arg2[%dma_wait3A_439, %dma_wait3A_440] : memref<800768x16xf32, #tpu.memory_space<hbm>> -> memref<800768x16xf32, #tpu.memory_space<hbm>>
    tpu.wait_indirect_dma semaphore(%arg14 : memref<!tpu.dma_semaphore, #tpu.memory_space<semaphore_mem>>) src(%dma_wait3A_441 : memref<800768x16xf32, #tpu.memory_space<hbm>>) dst(%arg11 : memref<184x16xf32, #tpu.memory_space<vmem>>)
    %scan3A_442 = arith.constant 0 : i32
    %scan3A_443 = arith.constant 0 : i32
    %scan3A_444 = arith.constant 184 : i32
    %scan3A_445 = arith.addi %scan3A_443, %scan3A_444 : i32
    %scan3A_446 = arith.constant 1 : i32
    scf.for %scan3A_618 = %scan3A_443 to %scan3A_445 step %scan3A_446  : i32 {
      %get3A = arith.index_cast %scan3A_618 : i32 to index
      %get3A_619 = arith.constant 0 : index
      %get3A_620 = tpu.vector_load %arg9[%get3A, %get3A_619] {strides = array<i32>} : memref<184x16xf32, #tpu.memory_space<vmem>>, vector<1x16xf32>,
      %get3A_621 = vector.shape_cast %get3A_620 : vector<1x16xf32> to vector<16xf32>
      %get3A_622 = arith.index_cast %scan3A_618 : i32 to index
      %get3A_623 = arith.constant 0 : index
      %get3A_624 = tpu.vector_load %arg11[%get3A_622, %get3A_623] {strides = array<i32>} : memref<184x16xf32, #tpu.memory_space<vmem>>, vector<1x16xf32>,
      %get3A_625 = vector.shape_cast %get3A_624 : vector<1x16xf32> to vector<16xf32>
      %add3A_626 = arith.addf %get3A_621, %get3A_625 : vector<16xf32>
      %swap3A = arith.index_cast %scan3A_618 : i32 to index
      %swap3A_627 = arith.constant 0 : index
      %swap3A_628 = tpu.vector_load %arg9[%swap3A, %swap3A_627] {strides = array<i32>} : memref<184x16xf32, #tpu.memory_space<vmem>>, vector<1x16xf32>,
      %swap3A_629 = vector.shape_cast %swap3A_628 : vector<1x16xf32> to vector<16xf32>
      %swap3A_630 = vector.shape_cast %add3A_626 : vector<16xf32> to vector<1x16xf32>
      tpu.vector_store %arg9[%swap3A, %swap3A_627], %swap3A_630 {strides = array<i32>} : memref<184x16xf32, #tpu.memory_space<vmem>>, vector<1x16xf32>,
    }
    %scan3A_447 = arith.constant 184 : i32
    %add3A_448 = arith.constant 2024 : i32
    %add3A_449 = arith.addi %mul3A_34, %add3A_448 : i32
    %mul3A_450 = arith.constant 16 : i32
    %mul3A_451 = arith.muli %mul3A_450, %select_n3A : i32
    %dma_start3A_452 = tpu.memref_slice %arg5[%add3A_449, %mul3A_451] : memref<12512x128xf32, #tpu.memory_space<hbm>> -> memref<184x16xf32, #tpu.memory_space<hbm>>
    %dma_start3A_453 = tpu.memref_slice %arg5[%add3A_449, %mul3A_451] : memref<12512x128xf32, #tpu.memory_space<hbm>> -> memref<184x16xf32, #tpu.memory_space<hbm>>
    tpu.enqueue_dma source(%arg9 : memref<184x16xf32, #tpu.memory_space<vmem>>) target(%dma_start3A_453 : memref<184x16xf32, #tpu.memory_space<hbm>>) target_semaphore(%arg15 : memref<!tpu.dma_semaphore, #tpu.memory_space<semaphore_mem>>)
    %dma_wait3A_454 = tpu.memref_slice %arg5[%add3A_415, %mul3A_417] : memref<12512x128xf32, #tpu.memory_space<hbm>> -> memref<184x16xf32, #tpu.memory_space<hbm>>
    %dma_wait3A_455 = tpu.memref_slice %arg5[%add3A_415, %mul3A_417] : memref<12512x128xf32, #tpu.memory_space<hbm>> -> memref<184x16xf32, #tpu.memory_space<hbm>>
    tpu.wait_dma2 semaphore(%arg15 : memref<!tpu.dma_semaphore, #tpu.memory_space<semaphore_mem>>) src(%arg8 : memref<184x16xf32, #tpu.memory_space<vmem>>) dst(%dma_wait3A_455 : memref<184x16xf32, #tpu.memory_space<hbm>>)
    %dma_start3A_456 = arith.constant 2392 : i32
    %dma_start3A_457 = tpu.memref_slice %arg6[%dma_start3A_456] : memref<3128xi32, #tpu.memory_space<vmem>> -> memref<184xi32, #tpu.memory_space<vmem>>
    %dma_start3A_458 = arith.constant 0 : i32
    %dma_start3A_459 = arith.constant 0 : i32
    %dma_start3A_460 = tpu.memref_slice %arg2[%dma_start3A_458, %dma_start3A_459] : memref<800768x16xf32, #tpu.memory_space<hbm>> -> memref<800768x16xf32, #tpu.memory_space<hbm>>
    tpu.enqueue_indirect_dma source(%dma_start3A_460 : memref<800768x16xf32, #tpu.memory_space<hbm>>) target(%arg9 : memref<184x16xf32, #tpu.memory_space<vmem>>) offsets(%dma_start3A_457 : memref<184xi32, #tpu.memory_space<vmem>>) semaphore(%arg13 : memref<!tpu.dma_semaphore, #tpu.memory_space<semaphore_mem>>)
    %dma_start3A_461 = arith.constant 2392 : i32
    %dma_start3A_462 = tpu.memref_slice %arg7[%dma_start3A_461] : memref<3128xi32, #tpu.memory_space<vmem>> -> memref<184xi32, #tpu.memory_space<vmem>>
    %dma_start3A_463 = arith.constant 0 : i32
    %dma_start3A_464 = arith.constant 0 : i32
    %dma_start3A_465 = tpu.memref_slice %arg2[%dma_start3A_463, %dma_start3A_464] : memref<800768x16xf32, #tpu.memory_space<hbm>> -> memref<800768x16xf32, #tpu.memory_space<hbm>>
    tpu.enqueue_indirect_dma source(%dma_start3A_465 : memref<800768x16xf32, #tpu.memory_space<hbm>>) target(%arg11 : memref<184x16xf32, #tpu.memory_space<vmem>>) offsets(%dma_start3A_462 : memref<184xi32, #tpu.memory_space<vmem>>) semaphore(%arg14 : memref<!tpu.dma_semaphore, #tpu.memory_space<semaphore_mem>>)
    %dma_wait3A_466 = arith.constant 2208 : i32
    %dma_wait3A_467 = tpu.memref_slice %arg6[%dma_wait3A_466] : memref<3128xi32, #tpu.memory_space<vmem>> -> memref<184xi32, #tpu.memory_space<vmem>>
    %dma_wait3A_468 = arith.constant 0 : i32
    %dma_wait3A_469 = arith.constant 0 : i32
    %dma_wait3A_470 = tpu.memref_slice %arg2[%dma_wait3A_468, %dma_wait3A_469] : memref<800768x16xf32, #tpu.memory_space<hbm>> -> memref<800768x16xf32, #tpu.memory_space<hbm>>
    tpu.wait_indirect_dma semaphore(%arg13 : memref<!tpu.dma_semaphore, #tpu.memory_space<semaphore_mem>>) src(%dma_wait3A_470 : memref<800768x16xf32, #tpu.memory_space<hbm>>) dst(%arg8 : memref<184x16xf32, #tpu.memory_space<vmem>>)
    %dma_wait3A_471 = arith.constant 2208 : i32
    %dma_wait3A_472 = tpu.memref_slice %arg7[%dma_wait3A_471] : memref<3128xi32, #tpu.memory_space<vmem>> -> memref<184xi32, #tpu.memory_space<vmem>>
    %dma_wait3A_473 = arith.constant 0 : i32
    %dma_wait3A_474 = arith.constant 0 : i32
    %dma_wait3A_475 = tpu.memref_slice %arg2[%dma_wait3A_473, %dma_wait3A_474] : memref<800768x16xf32, #tpu.memory_space<hbm>> -> memref<800768x16xf32, #tpu.memory_space<hbm>>
    tpu.wait_indirect_dma semaphore(%arg14 : memref<!tpu.dma_semaphore, #tpu.memory_space<semaphore_mem>>) src(%dma_wait3A_475 : memref<800768x16xf32, #tpu.memory_space<hbm>>) dst(%arg10 : memref<184x16xf32, #tpu.memory_space<vmem>>)
    %scan3A_476 = arith.constant 0 : i32
    %scan3A_477 = arith.constant 0 : i32
    %scan3A_478 = arith.constant 184 : i32
    %scan3A_479 = arith.addi %scan3A_477, %scan3A_478 : i32
    %scan3A_480 = arith.constant 1 : i32
    scf.for %scan3A_618 = %scan3A_477 to %scan3A_479 step %scan3A_480  : i32 {
      %get3A = arith.index_cast %scan3A_618 : i32 to index
      %get3A_619 = arith.constant 0 : index
      %get3A_620 = tpu.vector_load %arg8[%get3A, %get3A_619] {strides = array<i32>} : memref<184x16xf32, #tpu.memory_space<vmem>>, vector<1x16xf32>,
      %get3A_621 = vector.shape_cast %get3A_620 : vector<1x16xf32> to vector<16xf32>
      %get3A_622 = arith.index_cast %scan3A_618 : i32 to index
      %get3A_623 = arith.constant 0 : index
      %get3A_624 = tpu.vector_load %arg10[%get3A_622, %get3A_623] {strides = array<i32>} : memref<184x16xf32, #tpu.memory_space<vmem>>, vector<1x16xf32>,
      %get3A_625 = vector.shape_cast %get3A_624 : vector<1x16xf32> to vector<16xf32>
      %add3A_626 = arith.addf %get3A_621, %get3A_625 : vector<16xf32>
      %swap3A = arith.index_cast %scan3A_618 : i32 to index
      %swap3A_627 = arith.constant 0 : index
      %swap3A_628 = tpu.vector_load %arg8[%swap3A, %swap3A_627] {strides = array<i32>} : memref<184x16xf32, #tpu.memory_space<vmem>>, vector<1x16xf32>,
      %swap3A_629 = vector.shape_cast %swap3A_628 : vector<1x16xf32> to vector<16xf32>
      %swap3A_630 = vector.shape_cast %add3A_626 : vector<16xf32> to vector<1x16xf32>
      tpu.vector_store %arg8[%swap3A, %swap3A_627], %swap3A_630 {strides = array<i32>} : memref<184x16xf32, #tpu.memory_space<vmem>>, vector<1x16xf32>,
    }
    %scan3A_481 = arith.constant 184 : i32
    %add3A_482 = arith.constant 2208 : i32
    %add3A_483 = arith.addi %mul3A_34, %add3A_482 : i32
    %mul3A_484 = arith.constant 16 : i32
    %mul3A_485 = arith.muli %mul3A_484, %select_n3A : i32
    %dma_start3A_486 = tpu.memref_slice %arg5[%add3A_483, %mul3A_485] : memref<12512x128xf32, #tpu.memory_space<hbm>> -> memref<184x16xf32, #tpu.memory_space<hbm>>
    %dma_start3A_487 = tpu.memref_slice %arg5[%add3A_483, %mul3A_485] : memref<12512x128xf32, #tpu.memory_space<hbm>> -> memref<184x16xf32, #tpu.memory_space<hbm>>
    tpu.enqueue_dma source(%arg8 : memref<184x16xf32, #tpu.memory_space<vmem>>) target(%dma_start3A_487 : memref<184x16xf32, #tpu.memory_space<hbm>>) target_semaphore(%arg15 : memref<!tpu.dma_semaphore, #tpu.memory_space<semaphore_mem>>)
    %dma_wait3A_488 = tpu.memref_slice %arg5[%add3A_449, %mul3A_451] : memref<12512x128xf32, #tpu.memory_space<hbm>> -> memref<184x16xf32, #tpu.memory_space<hbm>>
    %dma_wait3A_489 = tpu.memref_slice %arg5[%add3A_449, %mul3A_451] : memref<12512x128xf32, #tpu.memory_space<hbm>> -> memref<184x16xf32, #tpu.memory_space<hbm>>
    tpu.wait_dma2 semaphore(%arg15 : memref<!tpu.dma_semaphore, #tpu.memory_space<semaphore_mem>>) src(%arg9 : memref<184x16xf32, #tpu.memory_space<vmem>>) dst(%dma_wait3A_489 : memref<184x16xf32, #tpu.memory_space<hbm>>)
    %dma_start3A_490 = arith.constant 2576 : i32
    %dma_start3A_491 = tpu.memref_slice %arg6[%dma_start3A_490] : memref<3128xi32, #tpu.memory_space<vmem>> -> memref<184xi32, #tpu.memory_space<vmem>>
    %dma_start3A_492 = arith.constant 0 : i32
    %dma_start3A_493 = arith.constant 0 : i32
    %dma_start3A_494 = tpu.memref_slice %arg2[%dma_start3A_492, %dma_start3A_493] : memref<800768x16xf32, #tpu.memory_space<hbm>> -> memref<800768x16xf32, #tpu.memory_space<hbm>>
    tpu.enqueue_indirect_dma source(%dma_start3A_494 : memref<800768x16xf32, #tpu.memory_space<hbm>>) target(%arg8 : memref<184x16xf32, #tpu.memory_space<vmem>>) offsets(%dma_start3A_491 : memref<184xi32, #tpu.memory_space<vmem>>) semaphore(%arg13 : memref<!tpu.dma_semaphore, #tpu.memory_space<semaphore_mem>>)
    %dma_start3A_495 = arith.constant 2576 : i32
    %dma_start3A_496 = tpu.memref_slice %arg7[%dma_start3A_495] : memref<3128xi32, #tpu.memory_space<vmem>> -> memref<184xi32, #tpu.memory_space<vmem>>
    %dma_start3A_497 = arith.constant 0 : i32
    %dma_start3A_498 = arith.constant 0 : i32
    %dma_start3A_499 = tpu.memref_slice %arg2[%dma_start3A_497, %dma_start3A_498] : memref<800768x16xf32, #tpu.memory_space<hbm>> -> memref<800768x16xf32, #tpu.memory_space<hbm>>
    tpu.enqueue_indirect_dma source(%dma_start3A_499 : memref<800768x16xf32, #tpu.memory_space<hbm>>) target(%arg10 : memref<184x16xf32, #tpu.memory_space<vmem>>) offsets(%dma_start3A_496 : memref<184xi32, #tpu.memory_space<vmem>>) semaphore(%arg14 : memref<!tpu.dma_semaphore, #tpu.memory_space<semaphore_mem>>)
    %dma_wait3A_500 = arith.constant 2392 : i32
    %dma_wait3A_501 = tpu.memref_slice %arg6[%dma_wait3A_500] : memref<3128xi32, #tpu.memory_space<vmem>> -> memref<184xi32, #tpu.memory_space<vmem>>
    %dma_wait3A_502 = arith.constant 0 : i32
    %dma_wait3A_503 = arith.constant 0 : i32
    %dma_wait3A_504 = tpu.memref_slice %arg2[%dma_wait3A_502, %dma_wait3A_503] : memref<800768x16xf32, #tpu.memory_space<hbm>> -> memref<800768x16xf32, #tpu.memory_space<hbm>>
    tpu.wait_indirect_dma semaphore(%arg13 : memref<!tpu.dma_semaphore, #tpu.memory_space<semaphore_mem>>) src(%dma_wait3A_504 : memref<800768x16xf32, #tpu.memory_space<hbm>>) dst(%arg9 : memref<184x16xf32, #tpu.memory_space<vmem>>)
    %dma_wait3A_505 = arith.constant 2392 : i32
    %dma_wait3A_506 = tpu.memref_slice %arg7[%dma_wait3A_505] : memref<3128xi32, #tpu.memory_space<vmem>> -> memref<184xi32, #tpu.memory_space<vmem>>
    %dma_wait3A_507 = arith.constant 0 : i32
    %dma_wait3A_508 = arith.constant 0 : i32
    %dma_wait3A_509 = tpu.memref_slice %arg2[%dma_wait3A_507, %dma_wait3A_508] : memref<800768x16xf32, #tpu.memory_space<hbm>> -> memref<800768x16xf32, #tpu.memory_space<hbm>>
    tpu.wait_indirect_dma semaphore(%arg14 : memref<!tpu.dma_semaphore, #tpu.memory_space<semaphore_mem>>) src(%dma_wait3A_509 : memref<800768x16xf32, #tpu.memory_space<hbm>>) dst(%arg11 : memref<184x16xf32, #tpu.memory_space<vmem>>)
    %scan3A_510 = arith.constant 0 : i32
    %scan3A_511 = arith.constant 0 : i32
    %scan3A_512 = arith.constant 184 : i32
    %scan3A_513 = arith.addi %scan3A_511, %scan3A_512 : i32
    %scan3A_514 = arith.constant 1 : i32
    scf.for %scan3A_618 = %scan3A_511 to %scan3A_513 step %scan3A_514  : i32 {
      %get3A = arith.index_cast %scan3A_618 : i32 to index
      %get3A_619 = arith.constant 0 : index
      %get3A_620 = tpu.vector_load %arg9[%get3A, %get3A_619] {strides = array<i32>} : memref<184x16xf32, #tpu.memory_space<vmem>>, vector<1x16xf32>,
      %get3A_621 = vector.shape_cast %get3A_620 : vector<1x16xf32> to vector<16xf32>
      %get3A_622 = arith.index_cast %scan3A_618 : i32 to index
      %get3A_623 = arith.constant 0 : index
      %get3A_624 = tpu.vector_load %arg11[%get3A_622, %get3A_623] {strides = array<i32>} : memref<184x16xf32, #tpu.memory_space<vmem>>, vector<1x16xf32>,
      %get3A_625 = vector.shape_cast %get3A_624 : vector<1x16xf32> to vector<16xf32>
      %add3A_626 = arith.addf %get3A_621, %get3A_625 : vector<16xf32>
      %swap3A = arith.index_cast %scan3A_618 : i32 to index
      %swap3A_627 = arith.constant 0 : index
      %swap3A_628 = tpu.vector_load %arg9[%swap3A, %swap3A_627] {strides = array<i32>} : memref<184x16xf32, #tpu.memory_space<vmem>>, vector<1x16xf32>,
      %swap3A_629 = vector.shape_cast %swap3A_628 : vector<1x16xf32> to vector<16xf32>
      %swap3A_630 = vector.shape_cast %add3A_626 : vector<16xf32> to vector<1x16xf32>
      tpu.vector_store %arg9[%swap3A, %swap3A_627], %swap3A_630 {strides = array<i32>} : memref<184x16xf32, #tpu.memory_space<vmem>>, vector<1x16xf32>,
    }
    %scan3A_515 = arith.constant 184 : i32
    %add3A_516 = arith.constant 2392 : i32
    %add3A_517 = arith.addi %mul3A_34, %add3A_516 : i32
    %mul3A_518 = arith.constant 16 : i32
    %mul3A_519 = arith.muli %mul3A_518, %select_n3A : i32
    %dma_start3A_520 = tpu.memref_slice %arg5[%add3A_517, %mul3A_519] : memref<12512x128xf32, #tpu.memory_space<hbm>> -> memref<184x16xf32, #tpu.memory_space<hbm>>
    %dma_start3A_521 = tpu.memref_slice %arg5[%add3A_517, %mul3A_519] : memref<12512x128xf32, #tpu.memory_space<hbm>> -> memref<184x16xf32, #tpu.memory_space<hbm>>
    tpu.enqueue_dma source(%arg9 : memref<184x16xf32, #tpu.memory_space<vmem>>) target(%dma_start3A_521 : memref<184x16xf32, #tpu.memory_space<hbm>>) target_semaphore(%arg15 : memref<!tpu.dma_semaphore, #tpu.memory_space<semaphore_mem>>)
    %dma_wait3A_522 = tpu.memref_slice %arg5[%add3A_483, %mul3A_485] : memref<12512x128xf32, #tpu.memory_space<hbm>> -> memref<184x16xf32, #tpu.memory_space<hbm>>
    %dma_wait3A_523 = tpu.memref_slice %arg5[%add3A_483, %mul3A_485] : memref<12512x128xf32, #tpu.memory_space<hbm>> -> memref<184x16xf32, #tpu.memory_space<hbm>>
    tpu.wait_dma2 semaphore(%arg15 : memref<!tpu.dma_semaphore, #tpu.memory_space<semaphore_mem>>) src(%arg8 : memref<184x16xf32, #tpu.memory_space<vmem>>) dst(%dma_wait3A_523 : memref<184x16xf32, #tpu.memory_space<hbm>>)
    %dma_start3A_524 = arith.constant 2760 : i32
    %dma_start3A_525 = tpu.memref_slice %arg6[%dma_start3A_524] : memref<3128xi32, #tpu.memory_space<vmem>> -> memref<184xi32, #tpu.memory_space<vmem>>
    %dma_start3A_526 = arith.constant 0 : i32
    %dma_start3A_527 = arith.constant 0 : i32
    %dma_start3A_528 = tpu.memref_slice %arg2[%dma_start3A_526, %dma_start3A_527] : memref<800768x16xf32, #tpu.memory_space<hbm>> -> memref<800768x16xf32, #tpu.memory_space<hbm>>
    tpu.enqueue_indirect_dma source(%dma_start3A_528 : memref<800768x16xf32, #tpu.memory_space<hbm>>) target(%arg9 : memref<184x16xf32, #tpu.memory_space<vmem>>) offsets(%dma_start3A_525 : memref<184xi32, #tpu.memory_space<vmem>>) semaphore(%arg13 : memref<!tpu.dma_semaphore, #tpu.memory_space<semaphore_mem>>)
    %dma_start3A_529 = arith.constant 2760 : i32
    %dma_start3A_530 = tpu.memref_slice %arg7[%dma_start3A_529] : memref<3128xi32, #tpu.memory_space<vmem>> -> memref<184xi32, #tpu.memory_space<vmem>>
    %dma_start3A_531 = arith.constant 0 : i32
    %dma_start3A_532 = arith.constant 0 : i32
    %dma_start3A_533 = tpu.memref_slice %arg2[%dma_start3A_531, %dma_start3A_532] : memref<800768x16xf32, #tpu.memory_space<hbm>> -> memref<800768x16xf32, #tpu.memory_space<hbm>>
    tpu.enqueue_indirect_dma source(%dma_start3A_533 : memref<800768x16xf32, #tpu.memory_space<hbm>>) target(%arg11 : memref<184x16xf32, #tpu.memory_space<vmem>>) offsets(%dma_start3A_530 : memref<184xi32, #tpu.memory_space<vmem>>) semaphore(%arg14 : memref<!tpu.dma_semaphore, #tpu.memory_space<semaphore_mem>>)
    %dma_wait3A_534 = arith.constant 2576 : i32
    %dma_wait3A_535 = tpu.memref_slice %arg6[%dma_wait3A_534] : memref<3128xi32, #tpu.memory_space<vmem>> -> memref<184xi32, #tpu.memory_space<vmem>>
    %dma_wait3A_536 = arith.constant 0 : i32
    %dma_wait3A_537 = arith.constant 0 : i32
    %dma_wait3A_538 = tpu.memref_slice %arg2[%dma_wait3A_536, %dma_wait3A_537] : memref<800768x16xf32, #tpu.memory_space<hbm>> -> memref<800768x16xf32, #tpu.memory_space<hbm>>
    tpu.wait_indirect_dma semaphore(%arg13 : memref<!tpu.dma_semaphore, #tpu.memory_space<semaphore_mem>>) src(%dma_wait3A_538 : memref<800768x16xf32, #tpu.memory_space<hbm>>) dst(%arg8 : memref<184x16xf32, #tpu.memory_space<vmem>>)
    %dma_wait3A_539 = arith.constant 2576 : i32
    %dma_wait3A_540 = tpu.memref_slice %arg7[%dma_wait3A_539] : memref<3128xi32, #tpu.memory_space<vmem>> -> memref<184xi32, #tpu.memory_space<vmem>>
    %dma_wait3A_541 = arith.constant 0 : i32
    %dma_wait3A_542 = arith.constant 0 : i32
    %dma_wait3A_543 = tpu.memref_slice %arg2[%dma_wait3A_541, %dma_wait3A_542] : memref<800768x16xf32, #tpu.memory_space<hbm>> -> memref<800768x16xf32, #tpu.memory_space<hbm>>
    tpu.wait_indirect_dma semaphore(%arg14 : memref<!tpu.dma_semaphore, #tpu.memory_space<semaphore_mem>>) src(%dma_wait3A_543 : memref<800768x16xf32, #tpu.memory_space<hbm>>) dst(%arg10 : memref<184x16xf32, #tpu.memory_space<vmem>>)
    %scan3A_544 = arith.constant 0 : i32
    %scan3A_545 = arith.constant 0 : i32
    %scan3A_546 = arith.constant 184 : i32
    %scan3A_547 = arith.addi %scan3A_545, %scan3A_546 : i32
    %scan3A_548 = arith.constant 1 : i32
    scf.for %scan3A_618 = %scan3A_545 to %scan3A_547 step %scan3A_548  : i32 {
      %get3A = arith.index_cast %scan3A_618 : i32 to index
      %get3A_619 = arith.constant 0 : index
      %get3A_620 = tpu.vector_load %arg8[%get3A, %get3A_619] {strides = array<i32>} : memref<184x16xf32, #tpu.memory_space<vmem>>, vector<1x16xf32>,
      %get3A_621 = vector.shape_cast %get3A_620 : vector<1x16xf32> to vector<16xf32>
      %get3A_622 = arith.index_cast %scan3A_618 : i32 to index
      %get3A_623 = arith.constant 0 : index
      %get3A_624 = tpu.vector_load %arg10[%get3A_622, %get3A_623] {strides = array<i32>} : memref<184x16xf32, #tpu.memory_space<vmem>>, vector<1x16xf32>,
      %get3A_625 = vector.shape_cast %get3A_624 : vector<1x16xf32> to vector<16xf32>
      %add3A_626 = arith.addf %get3A_621, %get3A_625 : vector<16xf32>
      %swap3A = arith.index_cast %scan3A_618 : i32 to index
      %swap3A_627 = arith.constant 0 : index
      %swap3A_628 = tpu.vector_load %arg8[%swap3A, %swap3A_627] {strides = array<i32>} : memref<184x16xf32, #tpu.memory_space<vmem>>, vector<1x16xf32>,
      %swap3A_629 = vector.shape_cast %swap3A_628 : vector<1x16xf32> to vector<16xf32>
      %swap3A_630 = vector.shape_cast %add3A_626 : vector<16xf32> to vector<1x16xf32>
      tpu.vector_store %arg8[%swap3A, %swap3A_627], %swap3A_630 {strides = array<i32>} : memref<184x16xf32, #tpu.memory_space<vmem>>, vector<1x16xf32>,
    }
    %scan3A_549 = arith.constant 184 : i32
    %add3A_550 = arith.constant 2576 : i32
    %add3A_551 = arith.addi %mul3A_34, %add3A_550 : i32
    %mul3A_552 = arith.constant 16 : i32
    %mul3A_553 = arith.muli %mul3A_552, %select_n3A : i32
    %dma_start3A_554 = tpu.memref_slice %arg5[%add3A_551, %mul3A_553] : memref<12512x128xf32, #tpu.memory_space<hbm>> -> memref<184x16xf32, #tpu.memory_space<hbm>>
    %dma_start3A_555 = tpu.memref_slice %arg5[%add3A_551, %mul3A_553] : memref<12512x128xf32, #tpu.memory_space<hbm>> -> memref<184x16xf32, #tpu.memory_space<hbm>>
    tpu.enqueue_dma source(%arg8 : memref<184x16xf32, #tpu.memory_space<vmem>>) target(%dma_start3A_555 : memref<184x16xf32, #tpu.memory_space<hbm>>) target_semaphore(%arg15 : memref<!tpu.dma_semaphore, #tpu.memory_space<semaphore_mem>>)
    %dma_wait3A_556 = tpu.memref_slice %arg5[%add3A_517, %mul3A_519] : memref<12512x128xf32, #tpu.memory_space<hbm>> -> memref<184x16xf32, #tpu.memory_space<hbm>>
    %dma_wait3A_557 = tpu.memref_slice %arg5[%add3A_517, %mul3A_519] : memref<12512x128xf32, #tpu.memory_space<hbm>> -> memref<184x16xf32, #tpu.memory_space<hbm>>
    tpu.wait_dma2 semaphore(%arg15 : memref<!tpu.dma_semaphore, #tpu.memory_space<semaphore_mem>>) src(%arg9 : memref<184x16xf32, #tpu.memory_space<vmem>>) dst(%dma_wait3A_557 : memref<184x16xf32, #tpu.memory_space<hbm>>)
    %dma_start3A_558 = arith.constant 2944 : i32
    %dma_start3A_559 = tpu.memref_slice %arg6[%dma_start3A_558] : memref<3128xi32, #tpu.memory_space<vmem>> -> memref<184xi32, #tpu.memory_space<vmem>>
    %dma_start3A_560 = arith.constant 0 : i32
    %dma_start3A_561 = arith.constant 0 : i32
    %dma_start3A_562 = tpu.memref_slice %arg2[%dma_start3A_560, %dma_start3A_561] : memref<800768x16xf32, #tpu.memory_space<hbm>> -> memref<800768x16xf32, #tpu.memory_space<hbm>>
    tpu.enqueue_indirect_dma source(%dma_start3A_562 : memref<800768x16xf32, #tpu.memory_space<hbm>>) target(%arg8 : memref<184x16xf32, #tpu.memory_space<vmem>>) offsets(%dma_start3A_559 : memref<184xi32, #tpu.memory_space<vmem>>) semaphore(%arg13 : memref<!tpu.dma_semaphore, #tpu.memory_space<semaphore_mem>>)
    %dma_start3A_563 = arith.constant 2944 : i32
    %dma_start3A_564 = tpu.memref_slice %arg7[%dma_start3A_563] : memref<3128xi32, #tpu.memory_space<vmem>> -> memref<184xi32, #tpu.memory_space<vmem>>
    %dma_start3A_565 = arith.constant 0 : i32
    %dma_start3A_566 = arith.constant 0 : i32
    %dma_start3A_567 = tpu.memref_slice %arg2[%dma_start3A_565, %dma_start3A_566] : memref<800768x16xf32, #tpu.memory_space<hbm>> -> memref<800768x16xf32, #tpu.memory_space<hbm>>
    tpu.enqueue_indirect_dma source(%dma_start3A_567 : memref<800768x16xf32, #tpu.memory_space<hbm>>) target(%arg10 : memref<184x16xf32, #tpu.memory_space<vmem>>) offsets(%dma_start3A_564 : memref<184xi32, #tpu.memory_space<vmem>>) semaphore(%arg14 : memref<!tpu.dma_semaphore, #tpu.memory_space<semaphore_mem>>)
    %dma_wait3A_568 = arith.constant 2760 : i32
    %dma_wait3A_569 = tpu.memref_slice %arg6[%dma_wait3A_568] : memref<3128xi32, #tpu.memory_space<vmem>> -> memref<184xi32, #tpu.memory_space<vmem>>
    %dma_wait3A_570 = arith.constant 0 : i32
    %dma_wait3A_571 = arith.constant 0 : i32
    %dma_wait3A_572 = tpu.memref_slice %arg2[%dma_wait3A_570, %dma_wait3A_571] : memref<800768x16xf32, #tpu.memory_space<hbm>> -> memref<800768x16xf32, #tpu.memory_space<hbm>>
    tpu.wait_indirect_dma semaphore(%arg13 : memref<!tpu.dma_semaphore, #tpu.memory_space<semaphore_mem>>) src(%dma_wait3A_572 : memref<800768x16xf32, #tpu.memory_space<hbm>>) dst(%arg9 : memref<184x16xf32, #tpu.memory_space<vmem>>)
    %dma_wait3A_573 = arith.constant 2760 : i32
    %dma_wait3A_574 = tpu.memref_slice %arg7[%dma_wait3A_573] : memref<3128xi32, #tpu.memory_space<vmem>> -> memref<184xi32, #tpu.memory_space<vmem>>
    %dma_wait3A_575 = arith.constant 0 : i32
    %dma_wait3A_576 = arith.constant 0 : i32
    %dma_wait3A_577 = tpu.memref_slice %arg2[%dma_wait3A_575, %dma_wait3A_576] : memref<800768x16xf32, #tpu.memory_space<hbm>> -> memref<800768x16xf32, #tpu.memory_space<hbm>>
    tpu.wait_indirect_dma semaphore(%arg14 : memref<!tpu.dma_semaphore, #tpu.memory_space<semaphore_mem>>) src(%dma_wait3A_577 : memref<800768x16xf32, #tpu.memory_space<hbm>>) dst(%arg11 : memref<184x16xf32, #tpu.memory_space<vmem>>)
    %scan3A_578 = arith.constant 0 : i32
    %scan3A_579 = arith.constant 0 : i32
    %scan3A_580 = arith.constant 184 : i32
    %scan3A_581 = arith.addi %scan3A_579, %scan3A_580 : i32
    %scan3A_582 = arith.constant 1 : i32
    scf.for %scan3A_618 = %scan3A_579 to %scan3A_581 step %scan3A_582  : i32 {
      %get3A = arith.index_cast %scan3A_618 : i32 to index
      %get3A_619 = arith.constant 0 : index
      %get3A_620 = tpu.vector_load %arg9[%get3A, %get3A_619] {strides = array<i32>} : memref<184x16xf32, #tpu.memory_space<vmem>>, vector<1x16xf32>,
      %get3A_621 = vector.shape_cast %get3A_620 : vector<1x16xf32> to vector<16xf32>
      %get3A_622 = arith.index_cast %scan3A_618 : i32 to index
      %get3A_623 = arith.constant 0 : index
      %get3A_624 = tpu.vector_load %arg11[%get3A_622, %get3A_623] {strides = array<i32>} : memref<184x16xf32, #tpu.memory_space<vmem>>, vector<1x16xf32>,
      %get3A_625 = vector.shape_cast %get3A_624 : vector<1x16xf32> to vector<16xf32>
      %add3A_626 = arith.addf %get3A_621, %get3A_625 : vector<16xf32>
      %swap3A = arith.index_cast %scan3A_618 : i32 to index
      %swap3A_627 = arith.constant 0 : index
      %swap3A_628 = tpu.vector_load %arg9[%swap3A, %swap3A_627] {strides = array<i32>} : memref<184x16xf32, #tpu.memory_space<vmem>>, vector<1x16xf32>,
      %swap3A_629 = vector.shape_cast %swap3A_628 : vector<1x16xf32> to vector<16xf32>
      %swap3A_630 = vector.shape_cast %add3A_626 : vector<16xf32> to vector<1x16xf32>
      tpu.vector_store %arg9[%swap3A, %swap3A_627], %swap3A_630 {strides = array<i32>} : memref<184x16xf32, #tpu.memory_space<vmem>>, vector<1x16xf32>,
    }
    %scan3A_583 = arith.constant 184 : i32
    %add3A_584 = arith.constant 2760 : i32
    %add3A_585 = arith.addi %mul3A_34, %add3A_584 : i32
    %mul3A_586 = arith.constant 16 : i32
    %mul3A_587 = arith.muli %mul3A_586, %select_n3A : i32
    %dma_start3A_588 = tpu.memref_slice %arg5[%add3A_585, %mul3A_587] : memref<12512x128xf32, #tpu.memory_space<hbm>> -> memref<184x16xf32, #tpu.memory_space<hbm>>
    %dma_start3A_589 = tpu.memref_slice %arg5[%add3A_585, %mul3A_587] : memref<12512x128xf32, #tpu.memory_space<hbm>> -> memref<184x16xf32, #tpu.memory_space<hbm>>
    tpu.enqueue_dma source(%arg9 : memref<184x16xf32, #tpu.memory_space<vmem>>) target(%dma_start3A_589 : memref<184x16xf32, #tpu.memory_space<hbm>>) target_semaphore(%arg15 : memref<!tpu.dma_semaphore, #tpu.memory_space<semaphore_mem>>)
    %dma_wait3A_590 = tpu.memref_slice %arg5[%add3A_551, %mul3A_553] : memref<12512x128xf32, #tpu.memory_space<hbm>> -> memref<184x16xf32, #tpu.memory_space<hbm>>
    %dma_wait3A_591 = tpu.memref_slice %arg5[%add3A_551, %mul3A_553] : memref<12512x128xf32, #tpu.memory_space<hbm>> -> memref<184x16xf32, #tpu.memory_space<hbm>>
    tpu.wait_dma2 semaphore(%arg15 : memref<!tpu.dma_semaphore, #tpu.memory_space<semaphore_mem>>) src(%arg8 : memref<184x16xf32, #tpu.memory_space<vmem>>) dst(%dma_wait3A_591 : memref<184x16xf32, #tpu.memory_space<hbm>>)
    %dma_wait3A_592 = arith.constant 2944 : i32
    %dma_wait3A_593 = tpu.memref_slice %arg6[%dma_wait3A_592] : memref<3128xi32, #tpu.memory_space<vmem>> -> memref<184xi32, #tpu.memory_space<vmem>>
    %dma_wait3A_594 = arith.constant 0 : i32
    %dma_wait3A_595 = arith.constant 0 : i32
    %dma_wait3A_596 = tpu.memref_slice %arg2[%dma_wait3A_594, %dma_wait3A_595] : memref<800768x16xf32, #tpu.memory_space<hbm>> -> memref<800768x16xf32, #tpu.memory_space<hbm>>
    tpu.wait_indirect_dma semaphore(%arg13 : memref<!tpu.dma_semaphore, #tpu.memory_space<semaphore_mem>>) src(%dma_wait3A_596 : memref<800768x16xf32, #tpu.memory_space<hbm>>) dst(%arg8 : memref<184x16xf32, #tpu.memory_space<vmem>>)
    %dma_wait3A_597 = arith.constant 2944 : i32
    %dma_wait3A_598 = tpu.memref_slice %arg7[%dma_wait3A_597] : memref<3128xi32, #tpu.memory_space<vmem>> -> memref<184xi32, #tpu.memory_space<vmem>>
    %dma_wait3A_599 = arith.constant 0 : i32
    %dma_wait3A_600 = arith.constant 0 : i32
    %dma_wait3A_601 = tpu.memref_slice %arg2[%dma_wait3A_599, %dma_wait3A_600] : memref<800768x16xf32, #tpu.memory_space<hbm>> -> memref<800768x16xf32, #tpu.memory_space<hbm>>
    tpu.wait_indirect_dma semaphore(%arg14 : memref<!tpu.dma_semaphore, #tpu.memory_space<semaphore_mem>>) src(%dma_wait3A_601 : memref<800768x16xf32, #tpu.memory_space<hbm>>) dst(%arg10 : memref<184x16xf32, #tpu.memory_space<vmem>>)
    %scan3A_602 = arith.constant 0 : i32
    %scan3A_603 = arith.constant 0 : i32
    %scan3A_604 = arith.constant 184 : i32
    %scan3A_605 = arith.addi %scan3A_603, %scan3A_604 : i32
    %scan3A_606 = arith.constant 1 : i32
    scf.for %scan3A_618 = %scan3A_603 to %scan3A_605 step %scan3A_606  : i32 {
      %get3A = arith.index_cast %scan3A_618 : i32 to index
      %get3A_619 = arith.constant 0 : index
      %get3A_620 = tpu.vector_load %arg8[%get3A, %get3A_619] {strides = array<i32>} : memref<184x16xf32, #tpu.memory_space<vmem>>, vector<1x16xf32>,
      %get3A_621 = vector.shape_cast %get3A_620 : vector<1x16xf32> to vector<16xf32>
      %get3A_622 = arith.index_cast %scan3A_618 : i32 to index
      %get3A_623 = arith.constant 0 : index
      %get3A_624 = tpu.vector_load %arg10[%get3A_622, %get3A_623] {strides = array<i32>} : memref<184x16xf32, #tpu.memory_space<vmem>>, vector<1x16xf32>,
      %get3A_625 = vector.shape_cast %get3A_624 : vector<1x16xf32> to vector<16xf32>
      %add3A_626 = arith.addf %get3A_621, %get3A_625 : vector<16xf32>
      %swap3A = arith.index_cast %scan3A_618 : i32 to index
      %swap3A_627 = arith.constant 0 : index
      %swap3A_628 = tpu.vector_load %arg8[%swap3A, %swap3A_627] {strides = array<i32>} : memref<184x16xf32, #tpu.memory_space<vmem>>, vector<1x16xf32>,
      %swap3A_629 = vector.shape_cast %swap3A_628 : vector<1x16xf32> to vector<16xf32>
      %swap3A_630 = vector.shape_cast %add3A_626 : vector<16xf32> to vector<1x16xf32>
      tpu.vector_store %arg8[%swap3A, %swap3A_627], %swap3A_630 {strides = array<i32>} : memref<184x16xf32, #tpu.memory_space<vmem>>, vector<1x16xf32>,
    }
    %scan3A_607 = arith.constant 184 : i32
    %add3A_608 = arith.constant 2944 : i32
    %add3A_609 = arith.addi %mul3A_34, %add3A_608 : i32
    %mul3A_610 = arith.constant 16 : i32
    %mul3A_611 = arith.muli %mul3A_610, %select_n3A : i32
    %dma_start3A_612 = tpu.memref_slice %arg5[%add3A_609, %mul3A_611] : memref<12512x128xf32, #tpu.memory_space<hbm>> -> memref<184x16xf32, #tpu.memory_space<hbm>>
    %dma_start3A_613 = tpu.memref_slice %arg5[%add3A_609, %mul3A_611] : memref<12512x128xf32, #tpu.memory_space<hbm>> -> memref<184x16xf32, #tpu.memory_space<hbm>>
    tpu.enqueue_dma source(%arg8 : memref<184x16xf32, #tpu.memory_space<vmem>>) target(%dma_start3A_613 : memref<184x16xf32, #tpu.memory_space<hbm>>) target_semaphore(%arg15 : memref<!tpu.dma_semaphore, #tpu.memory_space<semaphore_mem>>)
    %dma_wait3A_614 = tpu.memref_slice %arg5[%add3A_585, %mul3A_587] : memref<12512x128xf32, #tpu.memory_space<hbm>> -> memref<184x16xf32, #tpu.memory_space<hbm>>
    %dma_wait3A_615 = tpu.memref_slice %arg5[%add3A_585, %mul3A_587] : memref<12512x128xf32, #tpu.memory_space<hbm>> -> memref<184x16xf32, #tpu.memory_space<hbm>>
    tpu.wait_dma2 semaphore(%arg15 : memref<!tpu.dma_semaphore, #tpu.memory_space<semaphore_mem>>) src(%arg9 : memref<184x16xf32, #tpu.memory_space<vmem>>) dst(%dma_wait3A_615 : memref<184x16xf32, #tpu.memory_space<hbm>>)
    %dma_wait3A_616 = tpu.memref_slice %arg5[%add3A_609, %mul3A_611] : memref<12512x128xf32, #tpu.memory_space<hbm>> -> memref<184x16xf32, #tpu.memory_space<hbm>>
    %dma_wait3A_617 = tpu.memref_slice %arg5[%add3A_609, %mul3A_611] : memref<12512x128xf32, #tpu.memory_space<hbm>> -> memref<184x16xf32, #tpu.memory_space<hbm>>
    tpu.wait_dma2 semaphore(%arg15 : memref<!tpu.dma_semaphore, #tpu.memory_space<semaphore_mem>>) src(%arg8 : memref<184x16xf32, #tpu.memory_space<vmem>>) dst(%dma_wait3A_617 : memref<184x16xf32, #tpu.memory_space<hbm>>)
    return
  }
}

module attributes {stable_mosaic.version = 14 : i64} {
  func.func @_smax_body(%arg0: i32, %arg1: memref<12512x128xf32, #tpu.memory_space<vmem>>, %arg2: memref<128x12512xf32, #tpu.memory_space<vmem>>) attributes {dimension_semantics = [#tpu.dimension_semantics<arbitrary>], iteration_bounds = array<i64: 1>, scalar_prefetch = 0 : i64, scratch_operands = 0 : i64, tpu.core_type = #tpu.core_type<tc>, window_params = [{pipeline_mode = #tpu.pipeline_mode<synchronous>, transform_indices = @transform_0, window_bounds = array<i64: 12512, 128>}, {pipeline_mode = #tpu.pipeline_mode<synchronous>, transform_indices = @transform_1, window_bounds = array<i64: 128, 12512>}]} {
    %get3A = arith.constant 0 : index
    %get3A_0 = arith.constant 0 : index
    %get3A_1 = vector.load %arg1[%get3A, %get3A_0] : memref<12512x128xf32, #tpu.memory_space<vmem>>, vector<12512x128xf32>
    %mul3A = arith.constant 2.000000e-01 : f32
    %mul3A_2 = vector.broadcast %mul3A : f32 to vector<12512x128xf32>
    %mul3A_3 = arith.mulf %mul3A_2, %get3A_1 : vector<12512x128xf32>
    %max3A = arith.maximumf %get3A_1, %mul3A_3 : vector<12512x128xf32>
    %iota3A = tpu.iota {dimensions = array<i32: 0>} : vector<128x128xi32>
    %jit3A = arith.constant 16 : i32
    %div3A = vector.broadcast %jit3A : i32 to vector<128x128xi32>
    %div3A_4 = arith.divsi %iota3A, %div3A : vector<128x128xi32>
    %sign3A = arith.constant 0 : i32
    %sign3A_5 = vector.broadcast %sign3A : i32 to vector<128x128xi32>
    %sign3A_6 = arith.cmpi sgt, %iota3A, %sign3A_5 : vector<128x128xi32>
    %sign3A_7 = arith.extui %sign3A_6 : vector<128x128xi1> to vector<128x128xi32>
    %sign3A_8 = arith.constant 0 : i32
    %sign3A_9 = vector.broadcast %sign3A_8 : i32 to vector<128x128xi32>
    %sign3A_10 = arith.cmpi slt, %iota3A, %sign3A_9 : vector<128x128xi32>
    %sign3A_11 = arith.extui %sign3A_10 : vector<128x128xi1> to vector<128x128xi32>
    %sign3A_12 = arith.subi %sign3A_7, %sign3A_11 : vector<128x128xi32>
    %sign3A_13 = arith.constant 0 : i32
    %sign3A_14 = arith.cmpi sgt, %jit3A, %sign3A_13 : i32
    %sign3A_15 = arith.extui %sign3A_14 : i1 to i32
    %sign3A_16 = arith.constant 0 : i32
    %sign3A_17 = arith.cmpi slt, %jit3A, %sign3A_16 : i32
    %sign3A_18 = arith.extui %sign3A_17 : i1 to i32
    %sign3A_19 = arith.subi %sign3A_15, %sign3A_18 : i32
    %ne3A = vector.broadcast %sign3A_19 : i32 to vector<128x128xi32>
    %ne3A_20 = arith.cmpi ne, %sign3A_12, %ne3A : vector<128x128xi32>
    %rem3A = vector.broadcast %jit3A : i32 to vector<128x128xi32>
    %rem3A_21 = arith.remsi %iota3A, %rem3A : vector<128x128xi32>
    %ne3A_22 = arith.constant 0 : i32
    %ne3A_23 = vector.broadcast %ne3A_22 : i32 to vector<128x128xi32>
    %ne3A_24 = arith.cmpi ne, %rem3A_21, %ne3A_23 : vector<128x128xi32>
    %and3A = arith.andi %ne3A_20, %ne3A_24 : vector<128x128xi1>
    %sub3A = arith.constant 1 : i32
    %sub3A_25 = vector.broadcast %sub3A : i32 to vector<128x128xi32>
    %sub3A_26 = arith.subi %div3A_4, %sub3A_25 : vector<128x128xi32>
    %select_n3A = arith.select %and3A, %sub3A_26, %div3A_4 : vector<128x128xi1>, vector<128x128xi32>
    %iota3A_27 = tpu.iota {dimensions = array<i32: 1>} : vector<128x128xi32>
    %jit3A_28 = arith.constant 16 : i32
    %div3A_29 = vector.broadcast %jit3A_28 : i32 to vector<128x128xi32>
    %div3A_30 = arith.divsi %iota3A_27, %div3A_29 : vector<128x128xi32>
    %sign3A_31 = arith.constant 0 : i32
    %sign3A_32 = vector.broadcast %sign3A_31 : i32 to vector<128x128xi32>
    %sign3A_33 = arith.cmpi sgt, %iota3A_27, %sign3A_32 : vector<128x128xi32>
    %sign3A_34 = arith.extui %sign3A_33 : vector<128x128xi1> to vector<128x128xi32>
    %sign3A_35 = arith.constant 0 : i32
    %sign3A_36 = vector.broadcast %sign3A_35 : i32 to vector<128x128xi32>
    %sign3A_37 = arith.cmpi slt, %iota3A_27, %sign3A_36 : vector<128x128xi32>
    %sign3A_38 = arith.extui %sign3A_37 : vector<128x128xi1> to vector<128x128xi32>
    %sign3A_39 = arith.subi %sign3A_34, %sign3A_38 : vector<128x128xi32>
    %sign3A_40 = arith.constant 0 : i32
    %sign3A_41 = arith.cmpi sgt, %jit3A_28, %sign3A_40 : i32
    %sign3A_42 = arith.extui %sign3A_41 : i1 to i32
    %sign3A_43 = arith.constant 0 : i32
    %sign3A_44 = arith.cmpi slt, %jit3A_28, %sign3A_43 : i32
    %sign3A_45 = arith.extui %sign3A_44 : i1 to i32
    %sign3A_46 = arith.subi %sign3A_42, %sign3A_45 : i32
    %ne3A_47 = vector.broadcast %sign3A_46 : i32 to vector<128x128xi32>
    %ne3A_48 = arith.cmpi ne, %sign3A_39, %ne3A_47 : vector<128x128xi32>
    %rem3A_49 = vector.broadcast %jit3A_28 : i32 to vector<128x128xi32>
    %rem3A_50 = arith.remsi %iota3A_27, %rem3A_49 : vector<128x128xi32>
    %ne3A_51 = arith.constant 0 : i32
    %ne3A_52 = vector.broadcast %ne3A_51 : i32 to vector<128x128xi32>
    %ne3A_53 = arith.cmpi ne, %rem3A_50, %ne3A_52 : vector<128x128xi32>
    %and3A_54 = arith.andi %ne3A_48, %ne3A_53 : vector<128x128xi1>
    %sub3A_55 = arith.constant 1 : i32
    %sub3A_56 = vector.broadcast %sub3A_55 : i32 to vector<128x128xi32>
    %sub3A_57 = arith.subi %div3A_30, %sub3A_56 : vector<128x128xi32>
    %select_n3A_58 = arith.select %and3A_54, %sub3A_57, %div3A_30 : vector<128x128xi1>, vector<128x128xi32>
    %eq3A = arith.cmpi eq, %select_n3A, %select_n3A_58 : vector<128x128xi32>
    %convert_element_type3A = arith.extui %eq3A : vector<128x128xi1> to vector<128x128xi32>
    %convert_element_type3A_59 = arith.sitofp %convert_element_type3A : vector<128x128xi32> to vector<128x128xf32>
    %sub3A_60 = arith.constant 2.000000e+01 : f32
    %sub3A_61 = vector.broadcast %sub3A_60 : f32 to vector<12512x128xf32>
    %sub3A_62 = arith.subf %max3A, %sub3A_61 : vector<12512x128xf32>
    %exp3A = math.exp %sub3A_62 : vector<12512x128xf32>
    %dot_general3A = arith.constant dense<0.000000e+00> : vector<12512x128xf32>
    %dot_general3A_63 = tpu.matmul %exp3A, %convert_element_type3A_59, %dot_general3A {dimension_numbers = #tpu.dot_dimension_numbers<[1], [0], [0], [1], [0, 0, 1, 1], [], []>, transpose_lhs_hint = false} : vector<12512x128xf32>, vector<128x128xf32>, vector<12512x128xf32> -> vector<12512x128xf32>
    %sub3A_64 = arith.constant 2.000000e+01 : f32
    %sub3A_65 = vector.broadcast %sub3A_64 : f32 to vector<12512x128xf32>
    %sub3A_66 = arith.subf %max3A, %sub3A_65 : vector<12512x128xf32>
    %log3A = math.log %dot_general3A_63 : vector<12512x128xf32>
    %sub3A_67 = arith.subf %sub3A_66, %log3A : vector<12512x128xf32>
    %transpose3A = tpu.transpose %sub3A_67, [1, 0] : vector<12512x128xf32> -> vector<128x12512xf32>
    %swap3A = arith.constant 0 : index
    %swap3A_68 = arith.constant 0 : index
    %swap3A_69 = vector.load %arg2[%swap3A, %swap3A_68] : memref<128x12512xf32, #tpu.memory_space<vmem>>, vector<128x12512xf32>
    tpu.vector_store %arg2[%swap3A, %swap3A_68], %transpose3A {strides = array<i32>} : memref<128x12512xf32, #tpu.memory_space<vmem>>, vector<128x12512xf32>,
    return
  }
  func.func @transform_0(%arg0: i32) -> (i32, i32) {
    %c0_i32 = arith.constant 0 : i32
    %c0_i32_0 = arith.constant 0 : i32
    %c0_i32_1 = arith.constant 0 : i32
    return %c0_i32, %c0_i32_0 : i32, i32
  }
  func.func @transform_1(%arg0: i32) -> (i32, i32) {
    %c0_i32 = arith.constant 0 : i32
    %c0_i32_0 = arith.constant 0 : i32
    %c0_i32_1 = arith.constant 0 : i32
    return %c0_i32, %c0_i32_0 : i32, i32
  }
}

module attributes {stable_mosaic.version = 14 : i64} {
  func.func @_dense_body(%arg0: i32, %arg1: memref<6400x128xf32, #tpu.memory_space<vmem>>, %arg2: memref<128x128xf32, #tpu.memory_space<vmem>>, %arg3: memref<256x128xf32, #tpu.memory_space<vmem>>, %arg4: memref<128x16xf32, #tpu.memory_space<vmem>>, %arg5: memref<6400x128xf32, #tpu.memory_space<vmem>>) attributes {dimension_semantics = [#tpu.dimension_semantics<arbitrary>], iteration_bounds = array<i64: 16>, scalar_prefetch = 0 : i64, scratch_operands = 0 : i64, tpu.core_type = #tpu.core_type<tc>, window_params = [{transform_indices = @transform_0, window_bounds = array<i64: 6400, 128>}, {pipeline_mode = #tpu.pipeline_mode<synchronous>, transform_indices = @transform_1, window_bounds = array<i64: 128, 128>}, {pipeline_mode = #tpu.pipeline_mode<synchronous>, transform_indices = @transform_2, window_bounds = array<i64: 256, 128>}, {pipeline_mode = #tpu.pipeline_mode<synchronous>, transform_indices = @transform_3, window_bounds = array<i64: 128, 16>}, {transform_indices = @transform_4, window_bounds = array<i64: 6400, 128>}]} {
    %get3A = arith.constant 0 : index
    %get3A_0 = arith.constant 0 : index
    %get3A_1 = vector.load %arg3[%get3A, %get3A_0] : memref<256x128xf32, #tpu.memory_space<vmem>>, vector<256x128xf32>
    %get3A_2 = arith.constant 0 : index
    %get3A_3 = arith.constant 0 : index
    %get3A_4 = vector.load %arg4[%get3A_2, %get3A_3] : memref<128x16xf32, #tpu.memory_space<vmem>>, vector<128x16xf32>
    %dot_general3A = arith.constant dense<0.000000e+00> : vector<256x16xf32>
    %dot_general3A_5 = tpu.matmul %get3A_1, %get3A_4, %dot_general3A {dimension_numbers = #tpu.dot_dimension_numbers<[1], [0], [0], [1], [0, 0, 1, 1], [], []>, transpose_lhs_hint = false} : vector<256x128xf32>, vector<128x16xf32>, vector<256x16xf32> -> vector<256x16xf32>
    %get3A_6 = arith.constant 0 : index
    %get3A_7 = arith.constant 0 : index
    %get3A_8 = vector.load %arg2[%get3A_6, %get3A_7] : memref<128x128xf32, #tpu.memory_space<vmem>>, vector<128x128xf32>
    %slice3A = vector.extract_strided_slice %dot_general3A_5 {offsets = [0, 0], sizes = [128, 16], strides = [1, 1]} : vector<256x16xf32> to vector<128x16xf32>
    %dot_general3A_9 = arith.constant dense<0.000000e+00> : vector<128x16xf32>
    %dot_general3A_10 = tpu.matmul %get3A_8, %slice3A, %dot_general3A_9 {dimension_numbers = #tpu.dot_dimension_numbers<[1], [0], [0], [1], [0, 0, 1, 1], [], []>, transpose_lhs_hint = false} : vector<128x128xf32>, vector<128x16xf32>, vector<128x16xf32> -> vector<128x16xf32>
    %get3A_11 = arith.constant 0 : index
    %get3A_12 = arith.constant 0 : index
    %get3A_13 = vector.load %arg2[%get3A_11, %get3A_12] : memref<128x128xf32, #tpu.memory_space<vmem>>, vector<128x128xf32>
    %slice3A_14 = vector.extract_strided_slice %dot_general3A_5 {offsets = [128, 0], sizes = [128, 16], strides = [1, 1]} : vector<256x16xf32> to vector<128x16xf32>
    %dot_general3A_15 = arith.constant dense<0.000000e+00> : vector<128x16xf32>
    %dot_general3A_16 = tpu.matmul %get3A_13, %slice3A_14, %dot_general3A_15 {dimension_numbers = #tpu.dot_dimension_numbers<[1], [0], [0], [1], [0, 0, 1, 1], [], []>, transpose_lhs_hint = false} : vector<128x128xf32>, vector<128x16xf32>, vector<128x16xf32> -> vector<128x16xf32>
    %broadcast_in_dim3A = arith.constant 0.000000e+00 : f32
    %broadcast_in_dim3A_17 = vector.broadcast %broadcast_in_dim3A : f32 to vector<128x96xf32>
    %concatenate3A = tpu.concatenate %dot_general3A_10, %dot_general3A_16, %broadcast_in_dim3A_17 in 1 : vector<128x16xf32>, vector<128x16xf32>, vector<128x96xf32> -> vector<128x128xf32>
    %get3A_18 = arith.constant 0 : index
    %get3A_19 = arith.constant 0 : index
    %get3A_20 = vector.load %arg1[%get3A_18, %get3A_19] : memref<6400x128xf32, #tpu.memory_space<vmem>>, vector<6400x128xf32>
    %dot_general3A_21 = arith.constant dense<0.000000e+00> : vector<6400x128xf32>
    %dot_general3A_22 = tpu.matmul %get3A_20, %concatenate3A, %dot_general3A_21 {dimension_numbers = #tpu.dot_dimension_numbers<[1], [0], [0], [1], [0, 0, 1, 1], [], []>, transpose_lhs_hint = false} : vector<6400x128xf32>, vector<128x128xf32>, vector<6400x128xf32> -> vector<6400x128xf32>
    %swap3A = arith.constant 0 : index
    %swap3A_23 = arith.constant 0 : index
    %swap3A_24 = vector.load %arg5[%swap3A, %swap3A_23] : memref<6400x128xf32, #tpu.memory_space<vmem>>, vector<6400x128xf32>
    tpu.vector_store %arg5[%swap3A, %swap3A_23], %dot_general3A_22 {strides = array<i32>} : memref<6400x128xf32, #tpu.memory_space<vmem>>, vector<6400x128xf32>,
    return
  }
  func.func @transform_0(%arg0: i32) -> (i32, i32) {
    %c0_i32 = arith.constant 0 : i32
    %c0_i32_0 = arith.constant 0 : i32
    return %arg0, %c0_i32 : i32, i32
  }
  func.func @transform_1(%arg0: i32) -> (i32, i32) {
    %c0_i32 = arith.constant 0 : i32
    %c0_i32_0 = arith.constant 0 : i32
    %c0_i32_1 = arith.constant 0 : i32
    return %c0_i32, %c0_i32_0 : i32, i32
  }
  func.func @transform_2(%arg0: i32) -> (i32, i32) {
    %c0_i32 = arith.constant 0 : i32
    %c0_i32_0 = arith.constant 0 : i32
    %c0_i32_1 = arith.constant 0 : i32
    return %c0_i32, %c0_i32_0 : i32, i32
  }
  func.func @transform_3(%arg0: i32) -> (i32, i32) {
    %c0_i32 = arith.constant 0 : i32
    %c0_i32_0 = arith.constant 0 : i32
    %c0_i32_1 = arith.constant 0 : i32
    return %c0_i32, %c0_i32_0 : i32, i32
  }
  func.func @transform_4(%arg0: i32) -> (i32, i32) {
    %c0_i32 = arith.constant 0 : i32
    %c0_i32_0 = arith.constant 0 : i32
    return %arg0, %c0_i32 : i32, i32
  }
}

</mosaic_0001>

<sc_bundles>
// kernel: kernel.5.cloned.1.call-start
scs
__scs_entry_jumppad:
0x0: {  	(pc) =	sbr.rel $0x88, $3  }
0x1: {  	(tag) =	ssettag $0x0;
	lr =	simm.s32 $0x1  }
0x2: {  	[smem:$0x3F9C] =	sst lr;
	_ =	strace $0xD0000000  }
0x3: {  	_ = 	snop  }
0x4: {  	_ = 	snop  }
0x5: {  	_ = 	snop  }
0x6: {  	_ = 	snop  }
0x7: {  	_ = 	snop  }
__scs_overlays_trampoline_lowered:
0x8: {  	[smem:$0x3FAB] =	sst s0  }
0x9: {  	[smem:$0x3FAC] =	sst s1  }
0xa: {  	[smem:$0x3FAD] =	sst s2  }
0xb: {  	[smem:$0x3FAE] =	sst s3  }
0xc: {  	[smem:$0x3FAF] =	sst s4  }
0xd: {  	[smem:$0x3FB0] =	sst s5  }
0xe: {  	[smem:$0x3FB1] =	sst s6  }
0xf: {  	[smem:$0x3FB2] =	sst s7  }
0x10: {  	[smem:$0x3FB3] =	sst s8  }
0x11: {  	[smem:$0x3FB4] =	sst s9;
	s0 =	simm.s32 @!p0 $0x0  }
0x12: {  	s1 =	sld [smem:$0x3F9A];
	s0 =	simm.s32 @p0 $0x1  }
0x13: {  	[smem:$0x3FB5] =	sst s0;
	s0 =	simm.s32 @!p1 $0x0  }
0x14: {  	s2 =	sld [smem:$0x3F99];
	s0 =	simm.s32 @p1 $0x1  }
0x15: {  	[smem:$0x3FB6] =	sst s0;
	s0 =	simm.s32 @!p2 $0x0  }
0x16: {  	s3 =	sld [smem:$0x3FDB];
	s0 =	simm.s32 @p2 $0x1  }
0x17: {  	s4 =	simm.s32 $0x1BF5;
	[smem:$0x3FB8] =	sst s0  }
0x18: {  	s0 =	sld [smem:$0x3F9B];
	_ =	swait.ge [sflag:s4], $0x0  }
0x19: {  	s7 =	sld [smem:$0x3F9C]  }
0x1a: {  	s8 =	sadd.s32 $0xFFFFE003, lr  }
0x1b: {  	s9 =	sadd.s32 $0xFFFFFEF7, lr;
	s5 =	simm.s32 $0xFFFFFFFF;
	p2 =	slt.u32 s8, $0xFFFFF086  }
0x1c: {  	p1 =	slt.u32 s9, $0xF7A;
	s5 =	simm.s32 @!p2 $0x0  }
0x1d: {  	s5 =	simm.s32 @p1 $0x1;
	p0 =	seq.s32 s7, s2  }
0x1e: {  	s7 =	smul.u32 @!p0 $0xF7A, s2;
	p2 =	seq.s32 @!p0 s5, $0x0  }
0x1f: {  	s9 =	smul.u32 $0xF7A, s1;
	s8 =	simm.s32 @!p0 $0x1BF5;
	p2 =	por !p2, p0  }
0x20: {  	[sflag:s8] =	ssyncset.s32 @!p0 $0xFFFFF086;
	s6 =	sadd.s32 @!p0 s3, s7;
	s7 =	simm.s32 @!p0 $0x108  }
0x21: {  	s3 =	sadd.s32 s3, s9;
	s6 =	sadd.s32 @!p0 $0x88, s6;
	s7 =	simm.s32 @p2 $0x1082  }
0x22: {  	[simem:s7], [sflag:s8] =	dma.local @!p0 [hbm:s6], $0xF7A  }
0x23: {  	s9 =	sor.u32 $0xD0000000, s2;
	s6 =	simm.s32 $0x108;
	_ =	swait.ge @!p0 [sflag:s8], $0x0  }
0x24: {  	s3 =	sadd.s32 $0x88, s3;
	s6 =	simm.s32 @!p1 $0x1082;
	[sflag:s4] =	ssyncset.s32 $0xFFFFF086  }
0x25: {  	[simem:s6], [sflag:s4] =	dma.local [hbm:s3], $0xF7A  }
0x26: {  	[smem:$0x3F9C] =	sst s1;
	(tag) =	ssettag s2;
	_ =	strace s9  }
0x27: {  	s1 =	sld [smem:$0x3FAC]  }
0x28: {  	s2 =	sld [smem:$0x3FAD]  }
0x29: {  	s4 =	sld [smem:$0x3FAF]  }
0x2a: {  	p0 =	seq.s32 s5, $0x0;
	s5 =	sld [smem:$0x3FB0]  }
0x2b: {  	s6 =	sld [smem:$0x3FB1]  }
0x2c: {  	s7 =	sld [smem:$0x3FB2]  }
0x2d: {  	s3 =	simm.s32 $0x108;
	s8 =	sld [smem:$0x3FB3]  }
0x2e: {  	s3 =	simm.s32 @!p0 $0x1082;
	s9 =	sld [smem:$0x3FB4]  }
0x2f: {  	lr =	sadd.s32 s0, s3;
	s0 =	sld [smem:$0x3FAB]  }
0x30: {  	s3 =	sld [smem:$0x3FAE]  }
0x31: {  	[smem:$0x3FB7] =	sst s10  }
0x32: {  	s10 =	sld [smem:$0x3FB5];
	_ =	sdelay $0x3  }
0x33: {  	p0 =	seq.s32 s10, $0x1;
	s10 =	sld [smem:$0x3FB7];
	_ =	sdelay $0x3  }
0x34: {  	[smem:$0x3FB7] =	sst s10  }
0x35: {  	s10 =	sld [smem:$0x3FB6];
	_ =	sdelay $0x3  }
0x36: {  	p1 =	seq.s32 s10, $0x1;
	s10 =	sld [smem:$0x3FB7];
	_ =	sdelay $0x3  }
0x37: {  	[smem:$0x3FB7] =	sst s10  }
0x38: {  	s10 =	sld [smem:$0x3FB8]  }
0x39: {  	_ = 	snop;
	(pc) =	sbr.ind lr, $3  }
0x3a: {  	_ = 	snop  }
0x3b: {  	_ = 	snop  }
0x3c: {  	p2 =	seq.s32 s10, $0x1;
	s10 =	sld [smem:$0x3FB7]  }
0x3d: {  	_ =	shalt  }
0x3e: {  	_ =	shalt  }
0x3f: {  	_ =	shalt  }
0x40: {  	_ =	shalt  }
0x41: {  	_ =	shalt  }
0x42: {  	_ =	shalt  }
0x43: {  	_ =	shalt  }
0x44: {  	_ =	shalt  }
0x45: {  	_ =	shalt  }
0x46: {  	_ =	shalt  }
0x47: {  	_ =	shalt  }
0x48: {  	_ =	shalt  }
0x49: {  	_ =	shalt  }
0x4a: {  	_ =	shalt  }
0x4b: {  	_ =	shalt  }
0x4c: {  	_ =	shalt  }
0x4d: {  	_ =	shalt  }
0x4e: {  	_ =	shalt  }
0x4f: {  	_ =	shalt  }
0x50: {  	_ =	shalt  }
0x51: {  	_ =	shalt  }
0x52: {  	_ =	shalt  }
0x53: {  	_ =	shalt  }
0x54: {  	_ =	shalt  }
0x55: {  	_ =	shalt  }
0x56: {  	_ =	shalt  }
0x57: {  	_ =	shalt  }
0x58: {  	_ =	shalt  }
0x59: {  	_ =	shalt  }
0x5a: {  	_ =	shalt  }
0x5b: {  	_ =	shalt  }
0x5c: {  	_ =	shalt  }
0x5d: {  	_ =	shalt  }
0x5e: {  	_ =	shalt  }
0x5f: {  	_ =	shalt  }
0x60: {  	_ =	shalt  }
0x61: {  	_ =	shalt  }
0x62: {  	_ =	shalt  }
0x63: {  	_ =	shalt  }
0x64: {  	_ =	shalt  }
0x65: {  	_ =	shalt  }
0x66: {  	_ =	shalt  }
0x67: {  	_ =	shalt  }
0x68: {  	_ =	shalt  }
0x69: {  	_ =	shalt  }
0x6a: {  	_ =	shalt  }
0x6b: {  	_ =	shalt  }
0x6c: {  	_ =	shalt  }
0x6d: {  	_ =	shalt  }
0x6e: {  	_ =	shalt  }
0x6f: {  	_ =	shalt  }
0x70: {  	_ =	shalt  }
0x71: {  	_ =	shalt  }
0x72: {  	_ =	shalt  }
0x73: {  	_ =	shalt  }
0x74: {  	_ =	shalt  }
0x75: {  	_ =	shalt  }
0x76: {  	_ =	shalt  }
0x77: {  	_ =	shalt  }
0x78: {  	_ =	shalt  }
0x79: {  	_ =	shalt  }
0x7a: {  	_ =	shalt  }
0x7b: {  	_ =	shalt  }
0x7c: {  	_ =	shalt  }
0x7d: {  	_ =	shalt  }
0x7e: {  	_ =	shalt  }
0x7f: {  	_ =	shalt  }
0x80: {  	_ =	shalt  }
0x81: {  	_ =	shalt  }
0x82: {  	_ =	shalt  }
0x83: {  	_ =	shalt  }
0x84: {  	_ =	shalt  }
0x85: {  	_ =	shalt  }
0x86: {  	_ =	shalt  }
0x87: {  	_ =	shalt  }
.Lfunc_end0:
.L_simem_size_0:
called_computation_lowered:
.L_overlay_start_0:
0x88: {  	s2 =	sld [smem:$0x3FD9]  }
0x89: {  	s3 =	sld [smem:$0x3FFE];
	_ =	sdelay $0x1  }
0x8a: {  	s1 =	srdreg.scid  }
0x8b: {  	s0 =	sand.u32 $0x1, s1  }
0x8c: {  	s17 =	sshll.u32 s0, $0xA;
	s2 =	sadd.s32 s3, s2  }
0x8d: {  	s2 =	sadd.s32 s2, s17  }
0x8e: {  	[smem:$0x3FC3] =	sst s2  }
0x8f: {  	_ = 	snop  }
0x90: {  	s2 =	sld [smem:$0x3FD0];
	(tm) =	ssettm $0x1  }
0x91: {  	s18 =	sld [smem:$0x3FFB];
	_ =	sdelay $0x3  }
0x92: {  	_ =	strace s18  }
0x93: {  	s3 =	sld [smem:$0x3FFC];
	_ =	sdelay $0x3  }
0x94: {  	_ =	strace s3  }
0x95: {  	s3 =	sld [smem:$0x3FFD];
	_ =	sdelay $0x3  }
0x96: {  	_ =	strace s3  }
0x97: {  	_ =	strace $0x8FFFFFFF  }
0x98: {  	s19 =	sld [smem:$0x3FDB];
	_ =	sdelay $0x1  }
0x99: {  	s4 =	simm.s32 $_scs_section_size  }
0x9a: {  	s5 =	simm.s32 $_size__tile_overlayer_lowered;
	s6 =	simm.s32 $_tile_overlayer_lowered  }
0x9b: {  	s22 =	simm.s32 $0x1BFF;
	s21 =	sshll.u32 s6, $0x1;
	s3 =	sadd.s32 s4, s19  }
0x9c: {  	s7 =	simm.s32 $0x0;
	s20 =	sshll.u32 s5, $0x1;
	s5 =	sadd.s32 s21, s3  }
0x9d: {  	[timem:s7], [sflag:s22] =	dma.local [hbm:s5], s20  }
0x9e: {  	_ =	swait.ge [sflag:s22], s20  }
0x9f: {  	s4 =	ssub.s32 $0x0, s20;
	[sflag:s22] =	ssyncset.done $0x0  }
0xa0: {  	[sflag:s22] =	ssyncadd.s32 s4;
	_ =	sdelay $0x1  }
0xa1: {  	s23 =	simm.s32 $0x1B8B  }
0xa2: {  	_ =	swait.ge [sflag:s23], $0x1  }
0xa3: {  	[sflag:s23] =	ssyncset.done $0x0  }
0xa4: {  	s25 =	simm.s32 $0x1B8E;
	s24 =	sld [smem:$0x3FFE];
	[sflag:s23] =	ssyncadd.s32 $0xFFFFFFFF  }
0xa5: {  	s26 =	simm.s32 $execute0_lowered;
	[smem:$0x3FD2] =	sst s25  }
0xa6: {  	s5 =	sshll.u32 s26, $0x1;
	_ =	strace $0x80000046;
	[dreg:$0x1] =	wrdreg $0xFFFFFFFF  }
0xa7: {  	s28 =	simm.s32 $_size_execute0_lowered;
	s3 =	sadd.s32 s3, s5;
	[dreg:$0x0] =	wrdreg $0x0  }
0xa8: {  	s5 =	sshll.u32 s28, $0x1;
	[dreg:$0x2] =	wrdreg s3  }
0xa9: {  	[dreg:$0x3] =	wrdreg s5  }
0xaa: {  	[dreg:$0x4] =	wrdreg $0xC0  }
0xab: {  	_ =	task [dreg:s7], $0x5FFFF  }
0xac: {  	[dreg:$0x1] =	wrdreg $0xFFFFFFFF  }
0xad: {  	[dreg:$0x0] =	wrdreg $0x60  }
0xae: {  	[dreg:$0x2] =	wrdreg s24  }
0xaf: {  	[dreg:$0x3] =	wrdreg s2  }
0xb0: {  	[dreg:$0x4] =	wrdreg $0x9  }
0xb1: {  	_ =	task.clear_ibuf [dreg:s7], $0x5FFFF;
	_ =	strace $0x90000046  }
0xb2: {  	s29 =	simm.s32 $0x9;
	_ =	strace $0x80000048  }
0xb3: {  	_ =	swait.ge [sflag:s29], $0x1  }
0xb4: {  	[sflag:s29] =	ssyncadd.s32 $0xFFFFFFFF  }
0xb5: {  	_ =	strace $0x90000048  }
0xb6: {  	_ =	sfence  }
0xb7: {  	s30 =	sld [smem:$0x0];
	_ =	sdelay $0x2  }
0xb8: {  	s31 =	sshll.u32 s1, $0xD;
	s1 =	sshrl.u32 s1, $0x2  }
0xb9: {  	s3 =	sand.u32 $0x4000, s31;
	s1 =	sadd.s32 s1, s30  }
0xba: {  	s0 =	sor.u32 s3, s0;
	s1 =	sshll.u32 s1, $0x11  }
0xbb: {  	s0 =	sor.u32 s1, s0  }
0xbc: {  	s0 =	sadd.s32 $0x8F2B, s0  }
0xbd: {  	[sflag:s0] =	ssyncadd.remote.s32 $0x1  }
0xbe: {  	_ =	sfence.sel $0xFFFF  }
0xbf: {  	[dreg:$0x0] =	wrdreg $0xFFFFFFFF;
	(pc) =	sbr.abs _section_cstart, $3  }
0xc0: {  	[dreg:$0x1] =	wrdreg $0xFFFFFFFF  }
0xc1: {  	_ =	task.clear_ibuf [dreg:s7], $0x2FFFF;
	_ =	strace $0x9FFFFFFF  }
0xc2: {  	(tm) =	ssettm $0x7FFFFFFF  }
0xc3: {  	_ =	shalt  }
tec
execute0_lowered:
.L_overlay_start_1:
0x0: {  	(tag) =	ssettag $0x1  }
0x1: {  	s1 =	rddreg [dreg:$0x0];
	s2 =	srdreg.scid  }
0x2: {  	s6 =	stileid.u32;
	s0 =	rddreg [dreg:$0x1]  }
0x3: {  	s28 =	simm.s32 $0x1870;
	s29 =	simm.s32 $0x2F70;
	s30 =	simm.s32 $0x23F0  }
0x4: {  	s31 =	simm.s32 $0x3;
	s3 =	sand.u32 $0x1, s2;
	s4 =	sshll.u32 s6, $0x1  }
0x5: {  	s2 =	simm.s32 $0x0;
	s6 =	sshll.u32 s6, $0x3;
	s4 =	sor.u32 s3, s4  }
0x6: {  	[smem:$0x7FF] =	sst s2;
	s5 =	sand.u32 $0x3, s4;
	s4 =	smul.u32 $0x187, s4  }
0x7: {  	s7 =	ssub.s32 $0x2, s3;
	s6 =	sand.u32 $0x70, s6;
	s3 =	sadd.s32 $0x6600, s1  }
0x8: {  	s8 =	sshrl.u32 s7, $0x1;
	s5 =	smul.u32 $0x61C00, s5;
	s1 =	sadd.s32 s4, s1  }
0x9: {  	_ =	strace $0x80000047;
	s4 =	ssub.s32 s7, s8;
	s26 =	sadd.s32 $0x3400, s1  }
0xa: {  	s5 =	sor.u32 s6, s5;
	s1 =	sadd.s32 $0x200, s1;
	[dreg:$0x3] =	wrdreg s26  }
0xb: {  	s6 =	sadd.s32 $0x5C00, s5;
	s8 =	sshrl.u32 s5, $0x3;
	[dreg:$0x4] =	wrdreg s1  }
0xc: {  	s11 =	sadd.s32 $0xB800, s5;
	s12 =	sadd.s32 $0x11400, s5;
	s13 =	sadd.s32 $0x17000, s5  }
0xd: {  	s16 =	sadd.s32 $0x1CC00, s5;
	s17 =	sadd.s32 $0x22800, s5;
	s18 =	sadd.s32 $0x28400, s5  }
0xe: {  	s19 =	sadd.s32 $0x2E000, s5;
	s20 =	sadd.s32 $0x33C00, s5;
	s21 =	sadd.s32 $0x39800, s5  }
0xf: {  	s22 =	sadd.s32 $0x3F400, s5;
	s23 =	sadd.s32 $0x45000, s5;
	s24 =	sadd.s32 $0x4AC00, s5  }
0x10: {  	s25 =	sadd.s32 $0x50800, s5;
	s26 =	sadd.s32 $0x56400, s5;
	s5 =	sadd.s32 $0x5C000, s5  }
0x11: {  	s6 =	sshrl.u32 s6, $0x3;
	s9 =	sadd.s32 s0, s8;
	s1 =	sshrl.u32 s11, $0x3  }
0x12: {  	s7 =	sshrl.u32 s13, $0x3;
	[dreg:$0x5] =	wrdreg s9;
	s10 =	sadd.s32 s0, s6  }
0x13: {  	s5 =	sshrl.u32 s5, $0x3;
	s1 =	sadd.s32 s0, s1;
	[dreg:$0x6] =	wrdreg s10  }
0x14: {  	s6 =	sshrl.u32 s12, $0x3;
	s15 =	sadd.s32 s0, s7;
	[dreg:$0x7] =	wrdreg s1  }
0x15: {  	s7 =	sshrl.u32 s18, $0x3;
	s14 =	sadd.s32 s0, s6;
	[dreg:$0x9] =	wrdreg s15  }
0x16: {  	s1 =	sshrl.u32 s16, $0x3;
	s6 =	sshrl.u32 s17, $0x3;
	s13 =	sadd.s32 s0, s7  }
0x17: {  	s7 =	sshrl.u32 s21, $0x3;
	[dreg:$0x8] =	wrdreg s14;
	s11 =	sadd.s32 s0, s1  }
0x18: {  	s12 =	sadd.s32 s0, s6;
	s1 =	sshrl.u32 s19, $0x3;
	s6 =	sshrl.u32 s20, $0x3  }
0x19: {  	s16 =	sadd.s32 s0, s7;
	s7 =	sshrl.u32 s24, $0x3;
	s24 =	simm.s32 $0xC38  }
0x1a: {  	s14 =	sadd.s32 s0, s1;
	s15 =	sadd.s32 s0, s6;
	s1 =	sshrl.u32 s22, $0x3  }
0x1b: {  	s6 =	sshrl.u32 s23, $0x3;
	s19 =	sadd.s32 s0, s7;
	s22 =	sadd.s32 s0, s5  }
0x1c: {  	s23 =	smax.u32 s4, $0x1;
	s4 =	simm.s32 $0x10;
	s5 =	simm.s32 $0x80  }
0x1d: {  	s7 =	simm.s32 $0x0;
	s17 =	sadd.s32 s0, s1;
	s18 =	sadd.s32 s0, s6  }
0x1e: {  	s1 =	sshrl.u32 s25, $0x3;
	s6 =	sshrl.u32 s26, $0x3;
	s25 =	simm.s32 $0x1  }
0x1f: {  	s26 =	simm.s32 $0xB8;
	s20 =	sadd.s32 s0, s1;
	s21 =	sadd.s32 s0, s6  }
0x20: {  	s1 =	simm.s32 $0x3AF0;
	s0 =	simm.s32 $0x2;
	s6 =	simm.s32 $0x4  }
.LBB2_1:
0x21: {  	s8 =	rddreg [dreg:$0x3]  }
0x22: {  	[tilespmem:s2], [sflag:$0x1] =	stream.linear.gather [hbm4b:s8+s2], $0xC38, $0x38;
	[tilespmem:$0x4670] =	vst v63  }
0x23: {  	s9 =	rddreg [dreg:$0x4]  }
0x24: {  	[tilespmem:s24], [sflag:$0x1] =	stream.linear.gather [hbm4b:s9+s2], $0xC38, $0x38;
	[tilespmem:$0x4670] =	vst v63  }
0x25: {  	_ =	swait.ge [sflag:s25], $0xC38  }
0x26: {  	[sflag:s25] =	ssyncset.done $0x0  }
0x27: {  	[sflag:s25] =	ssyncadd.s32 $0xFFFFF3C8  }
0x28: {  	_ =	swait.ge [sflag:s25], $0xC38  }
0x29: {  	[sflag:s25] =	ssyncset.done $0x0  }
0x2a: {  	[sflag:s25] =	ssyncadd.s32 $0xFFFFF3C8  }
0x2b: {  	[tilespmem:s28], [sflag:$0x2] =	stream.indirect.gather [hbm4b:s3+s26], $0x10, s2, s26, $0xb8;
	[tilespmem:$0x4670] =	vst v63  }
0x2c: {  	_ = 	snop  }
0x2d: {  	[tilespmem:s29], [sflag:$0x3] =	stream.indirect.gather [hbm4b:s3+s26], $0x10, s24, s26, $0xb8;
	[tilespmem:$0x4670] =	vst v63  }
0x2e: {  	_ = 	snop  }
0x2f: {  	[tilespmem:s30], [sflag:$0x2] =	stream.indirect.gather [hbm4b:s3+s26], $0x10, s26, s26, $0xb8;
	[tilespmem:$0x4670] =	vst v63  }
0x30: {  	s10 =	simm.s32 $0xCF0  }
0x31: {  	[tilespmem:s1], [sflag:$0x3] =	stream.indirect.gather [hbm4b:s3+s26], $0x10, s10, s26, $0xb8;
	[tilespmem:$0x4670] =	vst v63  }
0x32: {  	_ =	swait.ge [sflag:s0], $0xB80  }
0x33: {  	[sflag:s0] =	ssyncset.done $0x0  }
0x34: {  	[sflag:s0] =	ssyncadd.s32 $0xFFFFF480  }
0x35: {  	_ =	swait.ge [sflag:s31], $0xB80  }
0x36: {  	[sflag:s31] =	ssyncset.done $0x0  }
0x37: {  	s8 =	simm.s32 $0x0;
	[sflag:s31] =	ssyncadd.s32 $0xFFFFF480  }
0x38: {  	s9 =	simm.s32 $0x40;
	v0 =	vld [tilespmem:s8+$0x2F70]  }
.LBB2_2:
0x39: {  	p0 =	sne.s32 s9, $0x2DC0;
	v1 =	vld [tilespmem:s8+$0x1870];
	_ =	sdelay $0x2  }
.Ltmp0:
0x3a: {  	(pc) =	sbr.rel @p0 .LBB2_2-.Ltmp0, $4  }
0x3b: {  	_ = 	snop  }
0x3c: {  	v1 =	vadd.f32 v0, v1  }
0x3d: {  	s10 =	sshra.s32 s9, $0x2  }
0x3e: {  	s9 =	sadd.s32 $0x40, s9;
	v0 =	vld [tilespmem:s10+$0x2F70];
	[tilespmem:s8+$0x1870] =	vst v1;
	s8 =	smov.u32 s10  }
0x3f: {  	v1 =	vld [tilespmem:s8+$0x1870];
	_ =	sdelay $0x4  }
0x40: {  	v0 =	vadd.f32 v0, v1;
	_ =	sdelay $0x1  }
0x41: {  	s10 =	rddreg [dreg:$0x5];
	[tilespmem:s8+$0x1870] =	vst v0  }
0x42: {  	[hbm4b:s10+s4] =	stream.strided.scatter [tilespmem:s28], [sflag:$0x4], $0xB80, s5, s4, $0x38;
	[tilespmem:$0x4670] =	vst v63  }
0x43: {  	s9 =	simm.s32 $0x170  }
0x44: {  	[tilespmem:s28], [sflag:$0x2] =	stream.indirect.gather [hbm4b:s3+s26], $0x10, s9, s26, $0xb8;
	[tilespmem:$0x4670] =	vst v63  }
0x45: {  	s10 =	simm.s32 $0xDA8  }
0x46: {  	[tilespmem:s29], [sflag:$0x3] =	stream.indirect.gather [hbm4b:s3+s26], $0x10, s10, s26, $0xb8;
	[tilespmem:$0x4670] =	vst v63  }
0x47: {  	_ =	swait.ge [sflag:s0], $0xB80  }
0x48: {  	[sflag:s0] =	ssyncset.done $0x0  }
0x49: {  	[sflag:s0] =	ssyncadd.s32 $0xFFFFF480  }
0x4a: {  	_ =	swait.ge [sflag:s31], $0xB80  }
0x4b: {  	[sflag:s31] =	ssyncset.done $0x0  }
0x4c: {  	s8 =	simm.s32 $0x0;
	[sflag:s31] =	ssyncadd.s32 $0xFFFFF480  }
0x4d: {  	s9 =	simm.s32 $0x40;
	v0 =	vld [tilespmem:s8+$0x3AF0]  }
.LBB2_4:
0x4e: {  	p0 =	sne.s32 s9, $0x2DC0;
	v1 =	vld [tilespmem:s8+$0x23F0];
	_ =	sdelay $0x2  }
.Ltmp1:
0x4f: {  	(pc) =	sbr.rel @p0 .LBB2_4-.Ltmp1, $4  }
0x50: {  	_ = 	snop  }
0x51: {  	v1 =	vadd.f32 v0, v1  }
0x52: {  	s10 =	sshra.s32 s9, $0x2  }
0x53: {  	s9 =	sadd.s32 $0x40, s9;
	v0 =	vld [tilespmem:s10+$0x3AF0];
	[tilespmem:s8+$0x23F0] =	vst v1;
	s8 =	smov.u32 s10  }
0x54: {  	v1 =	vld [tilespmem:s8+$0x23F0];
	_ =	sdelay $0x4  }
0x55: {  	v0 =	vadd.f32 v0, v1;
	_ =	sdelay $0x1  }
0x56: {  	s10 =	rddreg [dreg:$0x6];
	[tilespmem:s8+$0x23F0] =	vst v0  }
0x57: {  	[hbm4b:s10+s4] =	stream.strided.scatter [tilespmem:s30], [sflag:$0x4], $0xB80, s5, s4, $0x38;
	[tilespmem:$0x4670] =	vst v63  }
0x58: {  	_ =	swait.ge [sflag:s6], $0xB80  }
0x59: {  	[sflag:s6] =	ssyncset.done $0x0  }
0x5a: {  	s9 =	simm.s32 $0x228;
	[sflag:s6] =	ssyncadd.s32 $0xFFFFF480  }
0x5b: {  	[tilespmem:s30], [sflag:$0x2] =	stream.indirect.gather [hbm4b:s3+s26], $0x10, s9, s26, $0xb8;
	[tilespmem:$0x4670] =	vst v63  }
0x5c: {  	s10 =	simm.s32 $0xE60  }
0x5d: {  	[tilespmem:s1], [sflag:$0x3] =	stream.indirect.gather [hbm4b:s3+s26], $0x10, s10, s26, $0xb8;
	[tilespmem:$0x4670] =	vst v63  }
0x5e: {  	_ =	swait.ge [sflag:s0], $0xB80  }
0x5f: {  	[sflag:s0] =	ssyncset.done $0x0  }
0x60: {  	[sflag:s0] =	ssyncadd.s32 $0xFFFFF480  }
0x61: {  	_ =	swait.ge [sflag:s31], $0xB80  }
0x62: {  	[sflag:s31] =	ssyncset.done $0x0  }
0x63: {  	s8 =	simm.s32 $0x0;
	[sflag:s31] =	ssyncadd.s32 $0xFFFFF480  }
0x64: {  	s9 =	simm.s32 $0x40;
	v0 =	vld [tilespmem:s8+$0x2F70]  }
.LBB2_6:
0x65: {  	p0 =	sne.s32 s9, $0x2DC0;
	v1 =	vld [tilespmem:s8+$0x1870];
	_ =	sdelay $0x2  }
.Ltmp2:
0x66: {  	(pc) =	sbr.rel @p0 .LBB2_6-.Ltmp2, $4  }
0x67: {  	_ = 	snop  }
0x68: {  	v1 =	vadd.f32 v0, v1  }
0x69: {  	s10 =	sshra.s32 s9, $0x2  }
0x6a: {  	s9 =	sadd.s32 $0x40, s9;
	v0 =	vld [tilespmem:s10+$0x2F70];
	[tilespmem:s8+$0x1870] =	vst v1;
	s8 =	smov.u32 s10  }
0x6b: {  	v1 =	vld [tilespmem:s8+$0x1870];
	_ =	sdelay $0x4  }
0x6c: {  	v0 =	vadd.f32 v0, v1;
	_ =	sdelay $0x1  }
0x6d: {  	s10 =	rddreg [dreg:$0x7];
	[tilespmem:s8+$0x1870] =	vst v0  }
0x6e: {  	[hbm4b:s10+s4] =	stream.strided.scatter [tilespmem:s28], [sflag:$0x4], $0xB80, s5, s4, $0x38;
	[tilespmem:$0x4670] =	vst v63  }
0x6f: {  	_ =	swait.ge [sflag:s6], $0xB80  }
0x70: {  	[sflag:s6] =	ssyncset.done $0x0  }
0x71: {  	s9 =	simm.s32 $0x2E0;
	[sflag:s6] =	ssyncadd.s32 $0xFFFFF480  }
0x72: {  	[tilespmem:s28], [sflag:$0x2] =	stream.indirect.gather [hbm4b:s3+s26], $0x10, s9, s26, $0xb8;
	[tilespmem:$0x4670] =	vst v63  }
0x73: {  	s10 =	simm.s32 $0xF18  }
0x74: {  	[tilespmem:s29], [sflag:$0x3] =	stream.indirect.gather [hbm4b:s3+s26], $0x10, s10, s26, $0xb8;
	[tilespmem:$0x4670] =	vst v63  }
0x75: {  	_ =	swait.ge [sflag:s0], $0xB80  }
0x76: {  	[sflag:s0] =	ssyncset.done $0x0  }
0x77: {  	[sflag:s0] =	ssyncadd.s32 $0xFFFFF480  }
0x78: {  	_ =	swait.ge [sflag:s31], $0xB80  }
0x79: {  	[sflag:s31] =	ssyncset.done $0x0  }
0x7a: {  	s8 =	simm.s32 $0x0;
	[sflag:s31] =	ssyncadd.s32 $0xFFFFF480  }
0x7b: {  	s9 =	simm.s32 $0x40;
	v0 =	vld [tilespmem:s8+$0x3AF0]  }
.LBB2_8:
0x7c: {  	p0 =	sne.s32 s9, $0x2DC0;
	v1 =	vld [tilespmem:s8+$0x23F0];
	_ =	sdelay $0x2  }
.Ltmp3:
0x7d: {  	(pc) =	sbr.rel @p0 .LBB2_8-.Ltmp3, $4  }
0x7e: {  	_ = 	snop  }
0x7f: {  	v1 =	vadd.f32 v0, v1  }
0x80: {  	s10 =	sshra.s32 s9, $0x2  }
0x81: {  	s9 =	sadd.s32 $0x40, s9;
	v0 =	vld [tilespmem:s10+$0x3AF0];
	[tilespmem:s8+$0x23F0] =	vst v1;
	s8 =	smov.u32 s10  }
0x82: {  	v1 =	vld [tilespmem:s8+$0x23F0];
	_ =	sdelay $0x4  }
0x83: {  	v0 =	vadd.f32 v0, v1;
	_ =	sdelay $0x1  }
0x84: {  	s10 =	rddreg [dreg:$0x8];
	[tilespmem:s8+$0x23F0] =	vst v0  }
0x85: {  	[hbm4b:s10+s4] =	stream.strided.scatter [tilespmem:s30], [sflag:$0x4], $0xB80, s5, s4, $0x38;
	[tilespmem:$0x4670] =	vst v63  }
0x86: {  	_ =	swait.ge [sflag:s6], $0xB80  }
0x87: {  	[sflag:s6] =	ssyncset.done $0x0  }
0x88: {  	s9 =	simm.s32 $0x398;
	[sflag:s6] =	ssyncadd.s32 $0xFFFFF480  }
0x89: {  	[tilespmem:s30], [sflag:$0x2] =	stream.indirect.gather [hbm4b:s3+s26], $0x10, s9, s26, $0xb8;
	[tilespmem:$0x4670] =	vst v63  }
0x8a: {  	s10 =	simm.s32 $0xFD0  }
0x8b: {  	[tilespmem:s1], [sflag:$0x3] =	stream.indirect.gather [hbm4b:s3+s26], $0x10, s10, s26, $0xb8;
	[tilespmem:$0x4670] =	vst v63  }
0x8c: {  	_ =	swait.ge [sflag:s0], $0xB80  }
0x8d: {  	[sflag:s0] =	ssyncset.done $0x0  }
0x8e: {  	[sflag:s0] =	ssyncadd.s32 $0xFFFFF480  }
0x8f: {  	_ =	swait.ge [sflag:s31], $0xB80  }
0x90: {  	[sflag:s31] =	ssyncset.done $0x0  }
0x91: {  	s8 =	simm.s32 $0x0;
	[sflag:s31] =	ssyncadd.s32 $0xFFFFF480  }
0x92: {  	s9 =	simm.s32 $0x40;
	v0 =	vld [tilespmem:s8+$0x2F70]  }
.LBB2_10:
0x93: {  	p0 =	sne.s32 s9, $0x2DC0;
	v1 =	vld [tilespmem:s8+$0x1870];
	_ =	sdelay $0x2  }
.Ltmp4:
0x94: {  	(pc) =	sbr.rel @p0 .LBB2_10-.Ltmp4, $4  }
0x95: {  	_ = 	snop  }
0x96: {  	v1 =	vadd.f32 v0, v1  }
0x97: {  	s10 =	sshra.s32 s9, $0x2  }
0x98: {  	s9 =	sadd.s32 $0x40, s9;
	v0 =	vld [tilespmem:s10+$0x2F70];
	[tilespmem:s8+$0x1870] =	vst v1;
	s8 =	smov.u32 s10  }
0x99: {  	v1 =	vld [tilespmem:s8+$0x1870];
	_ =	sdelay $0x4  }
0x9a: {  	v0 =	vadd.f32 v0, v1;
	_ =	sdelay $0x1  }
0x9b: {  	s10 =	rddreg [dreg:$0x9];
	[tilespmem:s8+$0x1870] =	vst v0  }
0x9c: {  	[hbm4b:s10+s4] =	stream.strided.scatter [tilespmem:s28], [sflag:$0x4], $0xB80, s5, s4, $0x38;
	[tilespmem:$0x4670] =	vst v63  }
0x9d: {  	_ =	swait.ge [sflag:s6], $0xB80  }
0x9e: {  	[sflag:s6] =	ssyncset.done $0x0  }
0x9f: {  	s9 =	simm.s32 $0x450;
	[sflag:s6] =	ssyncadd.s32 $0xFFFFF480  }
0xa0: {  	[tilespmem:s28], [sflag:$0x2] =	stream.indirect.gather [hbm4b:s3+s26], $0x10, s9, s26, $0xb8;
	[tilespmem:$0x4670] =	vst v63  }
0xa1: {  	s10 =	simm.s32 $0x1088  }
0xa2: {  	[tilespmem:s29], [sflag:$0x3] =	stream.indirect.gather [hbm4b:s3+s26], $0x10, s10, s26, $0xb8;
	[tilespmem:$0x4670] =	vst v63  }
0xa3: {  	_ =	swait.ge [sflag:s0], $0xB80  }
0xa4: {  	[sflag:s0] =	ssyncset.done $0x0  }
0xa5: {  	[sflag:s0] =	ssyncadd.s32 $0xFFFFF480  }
0xa6: {  	_ =	swait.ge [sflag:s31], $0xB80  }
0xa7: {  	[sflag:s31] =	ssyncset.done $0x0  }
0xa8: {  	s8 =	simm.s32 $0x0;
	[sflag:s31] =	ssyncadd.s32 $0xFFFFF480  }
0xa9: {  	s9 =	simm.s32 $0x40;
	v0 =	vld [tilespmem:s8+$0x3AF0]  }
.LBB2_12:
0xaa: {  	p0 =	sne.s32 s9, $0x2DC0;
	v1 =	vld [tilespmem:s8+$0x23F0];
	_ =	sdelay $0x2  }
.Ltmp5:
0xab: {  	(pc) =	sbr.rel @p0 .LBB2_12-.Ltmp5, $4  }
0xac: {  	_ = 	snop  }
0xad: {  	v1 =	vadd.f32 v0, v1  }
0xae: {  	s10 =	sshra.s32 s9, $0x2  }
0xaf: {  	s9 =	sadd.s32 $0x40, s9;
	v0 =	vld [tilespmem:s10+$0x3AF0];
	[tilespmem:s8+$0x23F0] =	vst v1;
	s8 =	smov.u32 s10  }
0xb0: {  	v1 =	vld [tilespmem:s8+$0x23F0];
	_ =	sdelay $0x4  }
0xb1: {  	v0 =	vadd.f32 v0, v1;
	_ =	sdelay $0x1  }
0xb2: {  	[tilespmem:s8+$0x23F0] =	vst v0  }
0xb3: {  	[hbm4b:s11+s4] =	stream.strided.scatter [tilespmem:s30], [sflag:$0x4], $0xB80, s5, s4, $0x38;
	[tilespmem:$0x4670] =	vst v63  }
0xb4: {  	_ =	swait.ge [sflag:s6], $0xB80  }
0xb5: {  	[sflag:s6] =	ssyncset.done $0x0  }
0xb6: {  	s9 =	simm.s32 $0x508;
	[sflag:s6] =	ssyncadd.s32 $0xFFFFF480  }
0xb7: {  	[tilespmem:s30], [sflag:$0x2] =	stream.indirect.gather [hbm4b:s3+s26], $0x10, s9, s26, $0xb8;
	[tilespmem:$0x4670] =	vst v63  }
0xb8: {  	s10 =	simm.s32 $0x1140  }
0xb9: {  	[tilespmem:s1], [sflag:$0x3] =	stream.indirect.gather [hbm4b:s3+s26], $0x10, s10, s26, $0xb8;
	[tilespmem:$0x4670] =	vst v63  }
0xba: {  	_ =	swait.ge [sflag:s0], $0xB80  }
0xbb: {  	[sflag:s0] =	ssyncset.done $0x0  }
0xbc: {  	[sflag:s0] =	ssyncadd.s32 $0xFFFFF480  }
0xbd: {  	_ =	swait.ge [sflag:s31], $0xB80  }
0xbe: {  	[sflag:s31] =	ssyncset.done $0x0  }
0xbf: {  	s8 =	simm.s32 $0x0;
	[sflag:s31] =	ssyncadd.s32 $0xFFFFF480  }
0xc0: {  	s9 =	simm.s32 $0x40;
	v0 =	vld [tilespmem:s8+$0x2F70]  }
.LBB2_14:
0xc1: {  	p0 =	sne.s32 s9, $0x2DC0;
	v1 =	vld [tilespmem:s8+$0x1870];
	_ =	sdelay $0x2  }
.Ltmp6:
0xc2: {  	(pc) =	sbr.rel @p0 .LBB2_14-.Ltmp6, $4  }
0xc3: {  	_ = 	snop  }
0xc4: {  	v1 =	vadd.f32 v0, v1  }
0xc5: {  	s10 =	sshra.s32 s9, $0x2  }
0xc6: {  	s9 =	sadd.s32 $0x40, s9;
	v0 =	vld [tilespmem:s10+$0x2F70];
	[tilespmem:s8+$0x1870] =	vst v1;
	s8 =	smov.u32 s10  }
0xc7: {  	v1 =	vld [tilespmem:s8+$0x1870];
	_ =	sdelay $0x4  }
0xc8: {  	v0 =	vadd.f32 v0, v1;
	_ =	sdelay $0x1  }
0xc9: {  	[tilespmem:s8+$0x1870] =	vst v0  }
0xca: {  	[hbm4b:s12+s4] =	stream.strided.scatter [tilespmem:s28], [sflag:$0x4], $0xB80, s5, s4, $0x38;
	[tilespmem:$0x4670] =	vst v63  }
0xcb: {  	_ =	swait.ge [sflag:s6], $0xB80  }
0xcc: {  	[sflag:s6] =	ssyncset.done $0x0  }
0xcd: {  	s9 =	simm.s32 $0x5C0;
	[sflag:s6] =	ssyncadd.s32 $0xFFFFF480  }
0xce: {  	[tilespmem:s28], [sflag:$0x2] =	stream.indirect.gather [hbm4b:s3+s26], $0x10, s9, s26, $0xb8;
	[tilespmem:$0x4670] =	vst v63  }
0xcf: {  	s10 =	simm.s32 $0x11F8  }
0xd0: {  	[tilespmem:s29], [sflag:$0x3] =	stream.indirect.gather [hbm4b:s3+s26], $0x10, s10, s26, $0xb8;
	[tilespmem:$0x4670] =	vst v63  }
0xd1: {  	_ =	swait.ge [sflag:s0], $0xB80  }
0xd2: {  	[sflag:s0] =	ssyncset.done $0x0  }
0xd3: {  	[sflag:s0] =	ssyncadd.s32 $0xFFFFF480  }
0xd4: {  	_ =	swait.ge [sflag:s31], $0xB80  }
0xd5: {  	[sflag:s31] =	ssyncset.done $0x0  }
0xd6: {  	s8 =	simm.s32 $0x0;
	[sflag:s31] =	ssyncadd.s32 $0xFFFFF480  }
0xd7: {  	s9 =	simm.s32 $0x40;
	v0 =	vld [tilespmem:s8+$0x3AF0]  }
.LBB2_16:
0xd8: {  	p0 =	sne.s32 s9, $0x2DC0;
	v1 =	vld [tilespmem:s8+$0x23F0];
	_ =	sdelay $0x2  }
.Ltmp7:
0xd9: {  	(pc) =	sbr.rel @p0 .LBB2_16-.Ltmp7, $4  }
0xda: {  	_ = 	snop  }
0xdb: {  	v1 =	vadd.f32 v0, v1  }
0xdc: {  	s10 =	sshra.s32 s9, $0x2  }
0xdd: {  	s9 =	sadd.s32 $0x40, s9;
	v0 =	vld [tilespmem:s10+$0x3AF0];
	[tilespmem:s8+$0x23F0] =	vst v1;
	s8 =	smov.u32 s10  }
0xde: {  	v1 =	vld [tilespmem:s8+$0x23F0];
	_ =	sdelay $0x4  }
0xdf: {  	v0 =	vadd.f32 v0, v1;
	_ =	sdelay $0x1  }
0xe0: {  	[tilespmem:s8+$0x23F0] =	vst v0  }
0xe1: {  	[hbm4b:s13+s4] =	stream.strided.scatter [tilespmem:s30], [sflag:$0x4], $0xB80, s5, s4, $0x38;
	[tilespmem:$0x4670] =	vst v63  }
0xe2: {  	_ =	swait.ge [sflag:s6], $0xB80  }
0xe3: {  	[sflag:s6] =	ssyncset.done $0x0  }
0xe4: {  	s9 =	simm.s32 $0x678;
	[sflag:s6] =	ssyncadd.s32 $0xFFFFF480  }
0xe5: {  	[tilespmem:s30], [sflag:$0x2] =	stream.indirect.gather [hbm4b:s3+s26], $0x10, s9, s26, $0xb8;
	[tilespmem:$0x4670] =	vst v63  }
0xe6: {  	s10 =	simm.s32 $0x12B0  }
0xe7: {  	[tilespmem:s1], [sflag:$0x3] =	stream.indirect.gather [hbm4b:s3+s26], $0x10, s10, s26, $0xb8;
	[tilespmem:$0x4670] =	vst v63  }
0xe8: {  	_ =	swait.ge [sflag:s0], $0xB80  }
0xe9: {  	[sflag:s0] =	ssyncset.done $0x0  }
0xea: {  	[sflag:s0] =	ssyncadd.s32 $0xFFFFF480  }
0xeb: {  	_ =	swait.ge [sflag:s31], $0xB80  }
0xec: {  	[sflag:s31] =	ssyncset.done $0x0  }
0xed: {  	s8 =	simm.s32 $0x0;
	[sflag:s31] =	ssyncadd.s32 $0xFFFFF480  }
0xee: {  	s9 =	simm.s32 $0x40;
	v0 =	vld [tilespmem:s8+$0x2F70]  }
.LBB2_18:
0xef: {  	p0 =	sne.s32 s9, $0x2DC0;
	v1 =	vld [tilespmem:s8+$0x1870];
	_ =	sdelay $0x2  }
.Ltmp8:
0xf0: {  	(pc) =	sbr.rel @p0 .LBB2_18-.Ltmp8, $4  }
0xf1: {  	_ = 	snop  }
0xf2: {  	v1 =	vadd.f32 v0, v1  }
0xf3: {  	s10 =	sshra.s32 s9, $0x2  }
0xf4: {  	s9 =	sadd.s32 $0x40, s9;
	v0 =	vld [tilespmem:s10+$0x2F70];
	[tilespmem:s8+$0x1870] =	vst v1;
	s8 =	smov.u32 s10  }
0xf5: {  	v1 =	vld [tilespmem:s8+$0x1870];
	_ =	sdelay $0x4  }
0xf6: {  	v0 =	vadd.f32 v0, v1;
	_ =	sdelay $0x1  }
0xf7: {  	[tilespmem:s8+$0x1870] =	vst v0  }
0xf8: {  	[hbm4b:s14+s4] =	stream.strided.scatter [tilespmem:s28], [sflag:$0x4], $0xB80, s5, s4, $0x38;
	[tilespmem:$0x4670] =	vst v63  }
0xf9: {  	_ =	swait.ge [sflag:s6], $0xB80  }
0xfa: {  	[sflag:s6] =	ssyncset.done $0x0  }
0xfb: {  	s9 =	simm.s32 $0x730;
	[sflag:s6] =	ssyncadd.s32 $0xFFFFF480  }
0xfc: {  	[tilespmem:s28], [sflag:$0x2] =	stream.indirect.gather [hbm4b:s3+s26], $0x10, s9, s26, $0xb8;
	[tilespmem:$0x4670] =	vst v63  }
0xfd: {  	s10 =	simm.s32 $0x1368  }
0xfe: {  	[tilespmem:s29], [sflag:$0x3] =	stream.indirect.gather [hbm4b:s3+s26], $0x10, s10, s26, $0xb8;
	[tilespmem:$0x4670] =	vst v63  }
0xff: {  	_ =	swait.ge [sflag:s0], $0xB80  }
0x100: {  	[sflag:s0] =	ssyncset.done $0x0  }
0x101: {  	[sflag:s0] =	ssyncadd.s32 $0xFFFFF480  }
0x102: {  	_ =	swait.ge [sflag:s31], $0xB80  }
0x103: {  	[sflag:s31] =	ssyncset.done $0x0  }
0x104: {  	s8 =	simm.s32 $0x0;
	[sflag:s31] =	ssyncadd.s32 $0xFFFFF480  }
0x105: {  	s9 =	simm.s32 $0x40;
	v0 =	vld [tilespmem:s8+$0x3AF0]  }
.LBB2_20:
0x106: {  	p0 =	sne.s32 s9, $0x2DC0;
	v1 =	vld [tilespmem:s8+$0x23F0];
	_ =	sdelay $0x2  }
.Ltmp9:
0x107: {  	(pc) =	sbr.rel @p0 .LBB2_20-.Ltmp9, $4  }
0x108: {  	_ = 	snop  }
0x109: {  	v1 =	vadd.f32 v0, v1  }
0x10a: {  	s10 =	sshra.s32 s9, $0x2  }
0x10b: {  	s9 =	sadd.s32 $0x40, s9;
	v0 =	vld [tilespmem:s10+$0x3AF0];
	[tilespmem:s8+$0x23F0] =	vst v1;
	s8 =	smov.u32 s10  }
0x10c: {  	v1 =	vld [tilespmem:s8+$0x23F0];
	_ =	sdelay $0x4  }
0x10d: {  	v0 =	vadd.f32 v0, v1;
	_ =	sdelay $0x1  }
0x10e: {  	[tilespmem:s8+$0x23F0] =	vst v0  }
0x10f: {  	[hbm4b:s15+s4] =	stream.strided.scatter [tilespmem:s30], [sflag:$0x4], $0xB80, s5, s4, $0x38;
	[tilespmem:$0x4670] =	vst v63  }
0x110: {  	_ =	swait.ge [sflag:s6], $0xB80  }
0x111: {  	[sflag:s6] =	ssyncset.done $0x0  }
0x112: {  	s9 =	simm.s32 $0x7E8;
	[sflag:s6] =	ssyncadd.s32 $0xFFFFF480  }
0x113: {  	[tilespmem:s30], [sflag:$0x2] =	stream.indirect.gather [hbm4b:s3+s26], $0x10, s9, s26, $0xb8;
	[tilespmem:$0x4670] =	vst v63  }
0x114: {  	s10 =	simm.s32 $0x1420  }
0x115: {  	[tilespmem:s1], [sflag:$0x3] =	stream.indirect.gather [hbm4b:s3+s26], $0x10, s10, s26, $0xb8;
	[tilespmem:$0x4670] =	vst v63  }
0x116: {  	_ =	swait.ge [sflag:s0], $0xB80  }
0x117: {  	[sflag:s0] =	ssyncset.done $0x0  }
0x118: {  	[sflag:s0] =	ssyncadd.s32 $0xFFFFF480  }
0x119: {  	_ =	swait.ge [sflag:s31], $0xB80  }
0x11a: {  	[sflag:s31] =	ssyncset.done $0x0  }
0x11b: {  	s8 =	simm.s32 $0x0;
	[sflag:s31] =	ssyncadd.s32 $0xFFFFF480  }
0x11c: {  	s9 =	simm.s32 $0x40;
	v0 =	vld [tilespmem:s8+$0x2F70]  }
.LBB2_22:
0x11d: {  	p0 =	sne.s32 s9, $0x2DC0;
	v1 =	vld [tilespmem:s8+$0x1870];
	_ =	sdelay $0x2  }
.Ltmp10:
0x11e: {  	(pc) =	sbr.rel @p0 .LBB2_22-.Ltmp10, $4  }
0x11f: {  	_ = 	snop  }
0x120: {  	v1 =	vadd.f32 v0, v1  }
0x121: {  	s10 =	sshra.s32 s9, $0x2  }
0x122: {  	s9 =	sadd.s32 $0x40, s9;
	v0 =	vld [tilespmem:s10+$0x2F70];
	[tilespmem:s8+$0x1870] =	vst v1;
	s8 =	smov.u32 s10  }
0x123: {  	v1 =	vld [tilespmem:s8+$0x1870];
	_ =	sdelay $0x4  }
0x124: {  	v0 =	vadd.f32 v0, v1;
	_ =	sdelay $0x1  }
0x125: {  	[tilespmem:s8+$0x1870] =	vst v0  }
0x126: {  	[hbm4b:s16+s4] =	stream.strided.scatter [tilespmem:s28], [sflag:$0x4], $0xB80, s5, s4, $0x38;
	[tilespmem:$0x4670] =	vst v63  }
0x127: {  	_ =	swait.ge [sflag:s6], $0xB80  }
0x128: {  	[sflag:s6] =	ssyncset.done $0x0  }
0x129: {  	s9 =	simm.s32 $0x8A0;
	[sflag:s6] =	ssyncadd.s32 $0xFFFFF480  }
0x12a: {  	[tilespmem:s28], [sflag:$0x2] =	stream.indirect.gather [hbm4b:s3+s26], $0x10, s9, s26, $0xb8;
	[tilespmem:$0x4670] =	vst v63  }
0x12b: {  	s10 =	simm.s32 $0x14D8  }
0x12c: {  	[tilespmem:s29], [sflag:$0x3] =	stream.indirect.gather [hbm4b:s3+s26], $0x10, s10, s26, $0xb8;
	[tilespmem:$0x4670] =	vst v63  }
0x12d: {  	_ =	swait.ge [sflag:s0], $0xB80  }
0x12e: {  	[sflag:s0] =	ssyncset.done $0x0  }
0x12f: {  	[sflag:s0] =	ssyncadd.s32 $0xFFFFF480  }
0x130: {  	_ =	swait.ge [sflag:s31], $0xB80  }
0x131: {  	[sflag:s31] =	ssyncset.done $0x0  }
0x132: {  	s8 =	simm.s32 $0x0;
	[sflag:s31] =	ssyncadd.s32 $0xFFFFF480  }
0x133: {  	s9 =	simm.s32 $0x40;
	v0 =	vld [tilespmem:s8+$0x3AF0]  }
.LBB2_24:
0x134: {  	p0 =	sne.s32 s9, $0x2DC0;
	v1 =	vld [tilespmem:s8+$0x23F0];
	_ =	sdelay $0x2  }
.Ltmp11:
0x135: {  	(pc) =	sbr.rel @p0 .LBB2_24-.Ltmp11, $4  }
0x136: {  	_ = 	snop  }
0x137: {  	v1 =	vadd.f32 v0, v1  }
0x138: {  	s10 =	sshra.s32 s9, $0x2  }
0x139: {  	s9 =	sadd.s32 $0x40, s9;
	v0 =	vld [tilespmem:s10+$0x3AF0];
	[tilespmem:s8+$0x23F0] =	vst v1;
	s8 =	smov.u32 s10  }
0x13a: {  	v1 =	vld [tilespmem:s8+$0x23F0];
	_ =	sdelay $0x4  }
0x13b: {  	v0 =	vadd.f32 v0, v1;
	_ =	sdelay $0x1  }
0x13c: {  	[tilespmem:s8+$0x23F0] =	vst v0  }
0x13d: {  	[hbm4b:s17+s4] =	stream.strided.scatter [tilespmem:s30], [sflag:$0x4], $0xB80, s5, s4, $0x38;
	[tilespmem:$0x4670] =	vst v63  }
0x13e: {  	_ =	swait.ge [sflag:s6], $0xB80  }
0x13f: {  	[sflag:s6] =	ssyncset.done $0x0  }
0x140: {  	s9 =	simm.s32 $0x958;
	[sflag:s6] =	ssyncadd.s32 $0xFFFFF480  }
0x141: {  	[tilespmem:s30], [sflag:$0x2] =	stream.indirect.gather [hbm4b:s3+s26], $0x10, s9, s26, $0xb8;
	[tilespmem:$0x4670] =	vst v63  }
0x142: {  	s10 =	simm.s32 $0x1590  }
0x143: {  	[tilespmem:s1], [sflag:$0x3] =	stream.indirect.gather [hbm4b:s3+s26], $0x10, s10, s26, $0xb8;
	[tilespmem:$0x4670] =	vst v63  }
0x144: {  	_ =	swait.ge [sflag:s0], $0xB80  }
0x145: {  	[sflag:s0] =	ssyncset.done $0x0  }
0x146: {  	[sflag:s0] =	ssyncadd.s32 $0xFFFFF480  }
0x147: {  	_ =	swait.ge [sflag:s31], $0xB80  }
0x148: {  	[sflag:s31] =	ssyncset.done $0x0  }
0x149: {  	s8 =	simm.s32 $0x0;
	[sflag:s31] =	ssyncadd.s32 $0xFFFFF480  }
0x14a: {  	s9 =	simm.s32 $0x40;
	v0 =	vld [tilespmem:s8+$0x2F70]  }
.LBB2_26:
0x14b: {  	p0 =	sne.s32 s9, $0x2DC0;
	v1 =	vld [tilespmem:s8+$0x1870];
	_ =	sdelay $0x2  }
.Ltmp12:
0x14c: {  	(pc) =	sbr.rel @p0 .LBB2_26-.Ltmp12, $4  }
0x14d: {  	_ = 	snop  }
0x14e: {  	v1 =	vadd.f32 v0, v1  }
0x14f: {  	s10 =	sshra.s32 s9, $0x2  }
0x150: {  	s9 =	sadd.s32 $0x40, s9;
	v0 =	vld [tilespmem:s10+$0x2F70];
	[tilespmem:s8+$0x1870] =	vst v1;
	s8 =	smov.u32 s10  }
0x151: {  	v1 =	vld [tilespmem:s8+$0x1870];
	_ =	sdelay $0x4  }
0x152: {  	v0 =	vadd.f32 v0, v1;
	_ =	sdelay $0x1  }
0x153: {  	[tilespmem:s8+$0x1870] =	vst v0  }
0x154: {  	[hbm4b:s18+s4] =	stream.strided.scatter [tilespmem:s28], [sflag:$0x4], $0xB80, s5, s4, $0x38;
	[tilespmem:$0x4670] =	vst v63  }
0x155: {  	_ =	swait.ge [sflag:s6], $0xB80  }
0x156: {  	[sflag:s6] =	ssyncset.done $0x0  }
0x157: {  	s9 =	simm.s32 $0xA10;
	[sflag:s6] =	ssyncadd.s32 $0xFFFFF480  }
0x158: {  	[tilespmem:s28], [sflag:$0x2] =	stream.indirect.gather [hbm4b:s3+s26], $0x10, s9, s26, $0xb8;
	[tilespmem:$0x4670] =	vst v63  }
0x159: {  	s10 =	simm.s32 $0x1648  }
0x15a: {  	[tilespmem:s29], [sflag:$0x3] =	stream.indirect.gather [hbm4b:s3+s26], $0x10, s10, s26, $0xb8;
	[tilespmem:$0x4670] =	vst v63  }
0x15b: {  	_ =	swait.ge [sflag:s0], $0xB80  }
0x15c: {  	[sflag:s0] =	ssyncset.done $0x0  }
0x15d: {  	[sflag:s0] =	ssyncadd.s32 $0xFFFFF480  }
0x15e: {  	_ =	swait.ge [sflag:s31], $0xB80  }
0x15f: {  	[sflag:s31] =	ssyncset.done $0x0  }
0x160: {  	s8 =	simm.s32 $0x0;
	[sflag:s31] =	ssyncadd.s32 $0xFFFFF480  }
0x161: {  	s9 =	simm.s32 $0x40;
	v0 =	vld [tilespmem:s8+$0x3AF0]  }
.LBB2_28:
0x162: {  	p0 =	sne.s32 s9, $0x2DC0;
	v1 =	vld [tilespmem:s8+$0x23F0];
	_ =	sdelay $0x2  }
.Ltmp13:
0x163: {  	(pc) =	sbr.rel @p0 .LBB2_28-.Ltmp13, $4  }
0x164: {  	_ = 	snop  }
0x165: {  	v1 =	vadd.f32 v0, v1  }
0x166: {  	s10 =	sshra.s32 s9, $0x2  }
0x167: {  	s9 =	sadd.s32 $0x40, s9;
	v0 =	vld [tilespmem:s10+$0x3AF0];
	[tilespmem:s8+$0x23F0] =	vst v1;
	s8 =	smov.u32 s10  }
0x168: {  	v1 =	vld [tilespmem:s8+$0x23F0];
	_ =	sdelay $0x4  }
0x169: {  	v0 =	vadd.f32 v0, v1;
	_ =	sdelay $0x1  }
0x16a: {  	[tilespmem:s8+$0x23F0] =	vst v0  }
0x16b: {  	[hbm4b:s19+s4] =	stream.strided.scatter [tilespmem:s30], [sflag:$0x4], $0xB80, s5, s4, $0x38;
	[tilespmem:$0x4670] =	vst v63  }
0x16c: {  	_ =	swait.ge [sflag:s6], $0xB80  }
0x16d: {  	[sflag:s6] =	ssyncset.done $0x0  }
0x16e: {  	s9 =	simm.s32 $0xAC8;
	[sflag:s6] =	ssyncadd.s32 $0xFFFFF480  }
0x16f: {  	[tilespmem:s30], [sflag:$0x2] =	stream.indirect.gather [hbm4b:s3+s26], $0x10, s9, s26, $0xb8;
	[tilespmem:$0x4670] =	vst v63  }
0x170: {  	s10 =	simm.s32 $0x1700  }
0x171: {  	[tilespmem:s1], [sflag:$0x3] =	stream.indirect.gather [hbm4b:s3+s26], $0x10, s10, s26, $0xb8;
	[tilespmem:$0x4670] =	vst v63  }
0x172: {  	_ =	swait.ge [sflag:s0], $0xB80  }
0x173: {  	[sflag:s0] =	ssyncset.done $0x0  }
0x174: {  	[sflag:s0] =	ssyncadd.s32 $0xFFFFF480  }
0x175: {  	_ =	swait.ge [sflag:s31], $0xB80  }
0x176: {  	[sflag:s31] =	ssyncset.done $0x0  }
0x177: {  	s8 =	simm.s32 $0x0;
	[sflag:s31] =	ssyncadd.s32 $0xFFFFF480  }
0x178: {  	s9 =	simm.s32 $0x40;
	v0 =	vld [tilespmem:s8+$0x2F70]  }
.LBB2_30:
0x179: {  	p0 =	sne.s32 s9, $0x2DC0;
	v1 =	vld [tilespmem:s8+$0x1870];
	_ =	sdelay $0x2  }
.Ltmp14:
0x17a: {  	(pc) =	sbr.rel @p0 .LBB2_30-.Ltmp14, $4  }
0x17b: {  	_ = 	snop  }
0x17c: {  	v1 =	vadd.f32 v0, v1  }
0x17d: {  	s10 =	sshra.s32 s9, $0x2  }
0x17e: {  	s9 =	sadd.s32 $0x40, s9;
	v0 =	vld [tilespmem:s10+$0x2F70];
	[tilespmem:s8+$0x1870] =	vst v1;
	s8 =	smov.u32 s10  }
0x17f: {  	v1 =	vld [tilespmem:s8+$0x1870];
	_ =	sdelay $0x4  }
0x180: {  	v0 =	vadd.f32 v0, v1;
	_ =	sdelay $0x1  }
0x181: {  	[tilespmem:s8+$0x1870] =	vst v0  }
0x182: {  	[hbm4b:s20+s4] =	stream.strided.scatter [tilespmem:s28], [sflag:$0x4], $0xB80, s5, s4, $0x38;
	[tilespmem:$0x4670] =	vst v63  }
0x183: {  	_ =	swait.ge [sflag:s6], $0xB80  }
0x184: {  	[sflag:s6] =	ssyncset.done $0x0  }
0x185: {  	s9 =	simm.s32 $0xB80;
	[sflag:s6] =	ssyncadd.s32 $0xFFFFF480  }
0x186: {  	[tilespmem:s28], [sflag:$0x2] =	stream.indirect.gather [hbm4b:s3+s26], $0x10, s9, s26, $0xb8;
	[tilespmem:$0x4670] =	vst v63  }
0x187: {  	s10 =	simm.s32 $0x17B8  }
0x188: {  	[tilespmem:s29], [sflag:$0x3] =	stream.indirect.gather [hbm4b:s3+s26], $0x10, s10, s26, $0xb8;
	[tilespmem:$0x4670] =	vst v63  }
0x189: {  	_ =	swait.ge [sflag:s0], $0xB80  }
0x18a: {  	[sflag:s0] =	ssyncset.done $0x0  }
0x18b: {  	[sflag:s0] =	ssyncadd.s32 $0xFFFFF480  }
0x18c: {  	_ =	swait.ge [sflag:s31], $0xB80  }
0x18d: {  	[sflag:s31] =	ssyncset.done $0x0  }
0x18e: {  	s8 =	simm.s32 $0x0;
	[sflag:s31] =	ssyncadd.s32 $0xFFFFF480  }
0x18f: {  	s9 =	simm.s32 $0x40;
	v0 =	vld [tilespmem:s8+$0x3AF0]  }
.LBB2_32:
0x190: {  	p0 =	sne.s32 s9, $0x2DC0;
	v1 =	vld [tilespmem:s8+$0x23F0];
	_ =	sdelay $0x2  }
.Ltmp15:
0x191: {  	(pc) =	sbr.rel @p0 .LBB2_32-.Ltmp15, $4  }
0x192: {  	_ = 	snop  }
0x193: {  	v1 =	vadd.f32 v0, v1  }
0x194: {  	s10 =	sshra.s32 s9, $0x2  }
0x195: {  	s9 =	sadd.s32 $0x40, s9;
	v0 =	vld [tilespmem:s10+$0x3AF0];
	[tilespmem:s8+$0x23F0] =	vst v1;
	s8 =	smov.u32 s10  }
0x196: {  	v1 =	vld [tilespmem:s8+$0x23F0];
	_ =	sdelay $0x4  }
0x197: {  	v0 =	vadd.f32 v0, v1;
	_ =	sdelay $0x1  }
0x198: {  	[tilespmem:s8+$0x23F0] =	vst v0  }
0x199: {  	[hbm4b:s21+s4] =	stream.strided.scatter [tilespmem:s30], [sflag:$0x4], $0xB80, s5, s4, $0x38;
	[tilespmem:$0x4670] =	vst v63  }
0x19a: {  	_ =	swait.ge [sflag:s6], $0xB80  }
0x19b: {  	[sflag:s6] =	ssyncset.done $0x0  }
0x19c: {  	[sflag:s6] =	ssyncadd.s32 $0xFFFFF480  }
0x19d: {  	_ =	swait.ge [sflag:s0], $0xB80  }
0x19e: {  	[sflag:s0] =	ssyncset.done $0x0  }
0x19f: {  	[sflag:s0] =	ssyncadd.s32 $0xFFFFF480  }
0x1a0: {  	_ =	swait.ge [sflag:s31], $0xB80  }
0x1a1: {  	[sflag:s31] =	ssyncset.done $0x0  }
0x1a2: {  	s8 =	simm.s32 $0x0;
	[sflag:s31] =	ssyncadd.s32 $0xFFFFF480  }
0x1a3: {  	s9 =	simm.s32 $0x40;
	v0 =	vld [tilespmem:s8+$0x2F70]  }
.LBB2_34:
0x1a4: {  	p0 =	sne.s32 s9, $0x2DC0;
	v1 =	vld [tilespmem:s8+$0x1870];
	_ =	sdelay $0x2  }
.Ltmp16:
0x1a5: {  	(pc) =	sbr.rel @p0 .LBB2_34-.Ltmp16, $4  }
0x1a6: {  	_ = 	snop  }
0x1a7: {  	v1 =	vadd.f32 v0, v1  }
0x1a8: {  	s10 =	sshra.s32 s9, $0x2  }
0x1a9: {  	s9 =	sadd.s32 $0x40, s9;
	v0 =	vld [tilespmem:s10+$0x2F70];
	[tilespmem:s8+$0x1870] =	vst v1;
	s8 =	smov.u32 s10  }
0x1aa: {  	v1 =	vld [tilespmem:s8+$0x1870];
	_ =	sdelay $0x4  }
0x1ab: {  	v0 =	vadd.f32 v0, v1;
	_ =	sdelay $0x1  }
0x1ac: {  	s7 =	sadd.s32 $0x1, s7;
	[tilespmem:s8+$0x1870] =	vst v0  }
0x1ad: {  	[hbm4b:s22+s4] =	stream.strided.scatter [tilespmem:s28], [sflag:$0x4], $0xB80, s5, s4, $0x38;
	[tilespmem:$0x4670] =	vst v63  }
0x1ae: {  	p0 =	sne.s32 s7, s23;
	_ =	swait.ge [sflag:s6], $0xB80  }
.Ltmp17:
0x1af: {  	[sflag:s6] =	ssyncset.done $0x0;
	(pc) =	sbr.rel @p0 .LBB2_1-.Ltmp17, $4  }
0x1b0: {  	[sflag:s6] =	ssyncadd.s32 $0xFFFFF480  }
0x1b1: {  	_ =	swait.ge [sflag:s6], $0xB80  }
0x1b2: {  	[sflag:s6] =	ssyncset.done $0x0  }
0x1b3: {  	[sflag:s6] =	ssyncadd.s32 $0xFFFFF480  }
0x1b4: {  	_ =	sfence.sel $0x180000  }
0x1b5: {  	[bflag:$0x0] =	sbarrier.arrive $0xFFFF  }
0x1b6: {  	_ =	strace $0x90000047  }
0x1b7: {  	s0 =	stileid.u32;
	[bflag:$0x2] =	sbarrier.arrive $0xFFFF  }
0x1b8: {  	p0 =	sne.s32 s0, $0x0;
	s0 =	rddreg [dreg:$0x2]  }
0x1b9: {  	s0 =	sadd.s32 @!p0 $0x100000, s0  }
0x1ba: {  	[sflag:s0] =	ssyncadd.tile.s32 @!p0 $0x1;
	_ =	shalt  }
.Lfunc_end2:
_tile_overlayer_lowered:
.L_overlay_start_2:
0x1bb: {  	(tag) =	ssettag $0x2  }
0x1bc: {  	s0 =	rddreg [dreg:$0x0];
	s2 =	stileid.u32  }
0x1bd: {  	s1 =	rddreg [dreg:$0x1];
	p0 =	sne.s32 s2, $0x0  }
0x1be: {  	s3 =	rddreg [dreg:$0x2];
	[bflag:$0x3] =	sbarrier.arrive $0xFFFF;
	s2 =	simm.s32 @!p0 $0x1C05  }
0x1bf: {  	[timem:s3], [sflag:s2] =	dma.local @!p0 [hbm:s0], s1  }
0x1c0: {  	s0 =	simm.s32 @!p0 $0x5  }
0x1c1: {  	_ =	swait.ge @!p0 [sflag:s0], s1  }
0x1c2: {  	s1 =	ssub.s32 @!p0 $0x0, s1;
	[sflag:s0] =	ssyncset.done @!p0 $0x0  }
0x1c3: {  	[sflag:s0] =	ssyncadd.s32 @!p0 s1  }
0x1c4: {  	[bflag:$0x3] =	sbarrier.arrive $0xFFFF  }
0x1c5: {  	_ =	shalt  }

</sc_bundles>
